<compile_context>
chip_gen: v7x
topology: tpu7x:2x2x1
jax: 0.10.2.dev20260603
libtpu: 0.0.44.dev20260713+nightly
codegen_flags: <defaults>
</compile_context>

<pallas_src>
import functools

import jax
import jax.numpy as jnp
from jax import lax
from jax.experimental import pallas as pl
from jax.experimental.pallas import tpu as pltpu
from jax.experimental.pallas import tpu_sc as plsc

D_MODEL = 64
SCALE = 8.0
NC, NS, L = 2, 16, 16
NW = NC * NS
CH = 128
NBUF = 4


def _make_sc_lookup(seq: int, n_rows: int):
    mesh = plsc.VectorSubcoreMesh(core_axis_name="c", subcore_axis_name="s")
    n_groups = seq // NBUF

    @functools.partial(
        pl.kernel,
        out_type=jax.ShapeDtypeStruct((seq, n_rows, D_MODEL), jnp.float32),
        mesh=mesh,
        scratch_types=[
            pltpu.VMEM((seq, CH), jnp.int32),
            [pltpu.VMEM((CH, D_MODEL), jnp.float32)] * NBUF,
            [pltpu.VMEM((CH, D_MODEL), jnp.float32)] * NBUF,
            [pltpu.SemaphoreType.DMA] * NBUF,
        ],
        compiler_params=pltpu.CompilerParams(use_tc_tiling_on_sc=False),
    )
    def k(xt_hbm, table_hbm, out_hbm, idx_v, bufs, obufs, gsems):
        wid = lax.axis_index("s") * NC + lax.axis_index("c")
        col = wid * CH
        pltpu.sync_copy(xt_hbm.at[:, pl.ds(col, CH)], idx_v)

        def g_start(t, b):
            pltpu.async_copy(table_hbm.at[idx_v.at[t]], bufs[b], gsems[b])

        def g_wait(t, b):
            pltpu.make_async_copy(
                table_hbm.at[idx_v.at[t]], bufs[b], gsems[b]
            ).wait()

        def scale(b):
            buf, obuf = bufs[b], obufs[b]

            def srow(r, c2):
                for u in range(2):
                    for c in range(D_MODEL // L):
                        sl = pl.ds(c * L, L)
                        obuf[2 * r + u, sl] = buf[2 * r + u, sl] * SCALE
                return c2

            lax.fori_loop(0, CH // 2, srow, 0)

        def s_sync(t, b):
            pltpu.sync_copy(obufs[b], out_hbm.at[t, pl.ds(col, CH)])

        for b in range(NBUF):
            g_start(b, b)

        def step(g, carry):
            for b in range(NBUF):
                t = g * NBUF + b
                g_wait(t, b)
                scale(b)
                g_start(t + NBUF, b)
                s_sync(t, b)
            return carry

        lax.fori_loop(0, n_groups - 1, step, 0)

        for b in range(NBUF):
            t = (n_groups - 1) * NBUF + b
            g_wait(t, b)
            scale(b)
            s_sync(t, b)

    return k


def kernel(x, table):
    n_rows, seq = x.shape
    outp = _make_sc_lookup(seq, n_rows)(x.T.astype(jnp.int32), table)
    return outp.transpose(1, 0, 2)

# --- scband reference (transcript-rebuilt; emitter-appended) ---
"""Pipeline reference for scband-word-embeddings-54331336294411 (READ-ONLY COPY).

The authoritative reference and input builder live on the scoring server;
editing this copy changes nothing except your own understanding.
"""

import jax, jax.numpy as jnp
import numpy as np

D_MODEL = 64
VOCAB_SIZE = 1000000

def setup_inputs(seed: int = 0) -> dict:
    key = jax.random.key(seed)
    k1, k2 = jax.random.split(key)
    x = jax.random.randint(k1, (4096, 200), 0, VOCAB_SIZE, dtype=jnp.int64 if jax.config.jax_enable_x64 else jnp.int32)
    table = jax.random.normal(k2, (VOCAB_SIZE, D_MODEL), dtype=jnp.float32)
    return {"x": x, "table": table}

def reference(x, table):
    # embedding lookup followed by sqrt(d_model) scaling
    emb = jnp.take(table, x, axis=0)
    return emb * jnp.sqrt(jnp.float32(D_MODEL))

if __name__ == "__main__":
    import jax
    _d = setup_inputs()
    print(jax.jit(kernel)(*tuple(_d.values())))

</pallas_src>

<mosaic_0001>
#map = affine_map<(d0, d1) -> (0, 0)>
#map1 = affine_map<(d0, d1) -> (0, 0, 0)>
module attributes {stable_mosaic.version = 14 : i64} {
  func.func @k(%arg0: i32, %arg1: i32, %arg2: memref<200x4096xi32, #tpu.memory_space<hbm>>, %arg3: memref<1000000x64xf32, #tpu.memory_space<hbm>>, %arg4: memref<200x4096x64xf32, #tpu.memory_space<hbm>>, %arg5: memref<200x128xi32, #tpu.memory_space<vmem>>, %arg6: memref<128x64xf32, #tpu.memory_space<vmem>>, %arg7: memref<128x64xf32, #tpu.memory_space<vmem>>, %arg8: memref<128x64xf32, #tpu.memory_space<vmem>>, %arg9: memref<128x64xf32, #tpu.memory_space<vmem>>, %arg10: memref<128x64xf32, #tpu.memory_space<vmem>>, %arg11: memref<128x64xf32, #tpu.memory_space<vmem>>, %arg12: memref<128x64xf32, #tpu.memory_space<vmem>>, %arg13: memref<128x64xf32, #tpu.memory_space<vmem>>, %arg14: memref<!tpu.dma_semaphore, #tpu.memory_space<semaphore_mem>>, %arg15: memref<!tpu.dma_semaphore, #tpu.memory_space<semaphore_mem>>, %arg16: memref<!tpu.dma_semaphore, #tpu.memory_space<semaphore_mem>>, %arg17: memref<!tpu.dma_semaphore, #tpu.memory_space<semaphore_mem>>) attributes {dimension_semantics = [#tpu.dimension_semantics<core_parallel>, #tpu.dimension_semantics<subcore_parallel>], iteration_bounds = array<i64: 2, 16>, scalar_prefetch = 0 : i64, scratch_operands = 13 : i64, tpu.core_type = #tpu.core_type<sc_vector_subcore>, window_params = [{transform_indices = #map}, {transform_indices = #map}, {transform_indices = #map1}]} {
    %mul3A = arith.constant 2 : i32
    %mul3A_0 = arith.muli %arg1, %mul3A : i32
    %add3A = arith.addi %mul3A_0, %arg0 : i32
    %mul3A_1 = arith.constant 128 : i32
    %mul3A_2 = arith.muli %add3A, %mul3A_1 : i32
    "tpu.region"() ({
      %run_scoped3A_89 = tpu.sem_alloc : memref<!tpu.dma_semaphore, #tpu.memory_space<semaphore_mem>>
      %dma_start3A_90 = arith.constant 0 : i32
      %dma_start3A_91 = tpu.memref_slice %arg2[%dma_start3A_90, %mul3A_2] : memref<200x4096xi32, #tpu.memory_space<hbm>> -> memref<200x128xi32, #tpu.memory_space<hbm>>
      %dma_start3A_92 = arith.constant 0 : i32
      %dma_start3A_93 = tpu.memref_slice %arg2[%dma_start3A_92, %mul3A_2] : memref<200x4096xi32, #tpu.memory_space<hbm>> -> memref<200x128xi32, #tpu.memory_space<hbm>>
      tpu.enqueue_dma source(%dma_start3A_93 : memref<200x128xi32, #tpu.memory_space<hbm>>) target(%arg5 : memref<200x128xi32, #tpu.memory_space<vmem>>) target_semaphore(%run_scoped3A_89 : memref<!tpu.dma_semaphore, #tpu.memory_space<semaphore_mem>>)
      %dma_wait3A_94 = arith.constant 0 : i32
      %dma_wait3A_95 = tpu.memref_slice %arg2[%dma_wait3A_94, %mul3A_2] : memref<200x4096xi32, #tpu.memory_space<hbm>> -> memref<200x128xi32, #tpu.memory_space<hbm>>
      %dma_wait3A_96 = arith.constant 0 : i32
      %dma_wait3A_97 = tpu.memref_slice %arg2[%dma_wait3A_96, %mul3A_2] : memref<200x4096xi32, #tpu.memory_space<hbm>> -> memref<200x128xi32, #tpu.memory_space<hbm>>
      tpu.wait_dma2 semaphore(%run_scoped3A_89 : memref<!tpu.dma_semaphore, #tpu.memory_space<semaphore_mem>>) src(%dma_wait3A_97 : memref<200x128xi32, #tpu.memory_space<hbm>>) dst(%arg5 : memref<200x128xi32, #tpu.memory_space<vmem>>)
      tpu.yield
    }) : () -> ()
    %dma_start3A = arith.constant 0 : i32
    %dma_start3A_3 = arith.constant 0 : i32
    %dma_start3A_4 = tpu.memref_slice %arg5[%dma_start3A, %dma_start3A_3] : memref<200x128xi32, #tpu.memory_space<vmem>> -> memref<1x128xi32, #tpu.memory_space<vmem>>
    %dma_start3A_5 = tpu.memref_squeeze %dma_start3A_4 : memref<1x128xi32, #tpu.memory_space<vmem>> -> memref<128xi32, #tpu.memory_space<vmem>>
    %dma_start3A_6 = arith.constant 0 : i32
    %dma_start3A_7 = arith.constant 0 : i32
    %dma_start3A_8 = tpu.memref_slice %arg3[%dma_start3A_6, %dma_start3A_7] : memref<1000000x64xf32, #tpu.memory_space<hbm>> -> memref<1000000x64xf32, #tpu.memory_space<hbm>>
    tpu.enqueue_indirect_dma source(%dma_start3A_8 : memref<1000000x64xf32, #tpu.memory_space<hbm>>) target(%arg6 : memref<128x64xf32, #tpu.memory_space<vmem>>) offsets(%dma_start3A_5 : memref<128xi32, #tpu.memory_space<vmem>>) semaphore(%arg14 : memref<!tpu.dma_semaphore, #tpu.memory_space<semaphore_mem>>)
    %dma_start3A_9 = arith.constant 1 : i32
    %dma_start3A_10 = arith.constant 0 : i32
    %dma_start3A_11 = tpu.memref_slice %arg5[%dma_start3A_9, %dma_start3A_10] : memref<200x128xi32, #tpu.memory_space<vmem>> -> memref<1x128xi32, #tpu.memory_space<vmem>>
    %dma_start3A_12 = tpu.memref_squeeze %dma_start3A_11 : memref<1x128xi32, #tpu.memory_space<vmem>> -> memref<128xi32, #tpu.memory_space<vmem>>
    %dma_start3A_13 = arith.constant 0 : i32
    %dma_start3A_14 = arith.constant 0 : i32
    %dma_start3A_15 = tpu.memref_slice %arg3[%dma_start3A_13, %dma_start3A_14] : memref<1000000x64xf32, #tpu.memory_space<hbm>> -> memref<1000000x64xf32, #tpu.memory_space<hbm>>
    tpu.enqueue_indirect_dma source(%dma_start3A_15 : memref<1000000x64xf32, #tpu.memory_space<hbm>>) target(%arg7 : memref<128x64xf32, #tpu.memory_space<vmem>>) offsets(%dma_start3A_12 : memref<128xi32, #tpu.memory_space<vmem>>) semaphore(%arg15 : memref<!tpu.dma_semaphore, #tpu.memory_space<semaphore_mem>>)
    %dma_start3A_16 = arith.constant 2 : i32
    %dma_start3A_17 = arith.constant 0 : i32
    %dma_start3A_18 = tpu.memref_slice %arg5[%dma_start3A_16, %dma_start3A_17] : memref<200x128xi32, #tpu.memory_space<vmem>> -> memref<1x128xi32, #tpu.memory_space<vmem>>
    %dma_start3A_19 = tpu.memref_squeeze %dma_start3A_18 : memref<1x128xi32, #tpu.memory_space<vmem>> -> memref<128xi32, #tpu.memory_space<vmem>>
    %dma_start3A_20 = arith.constant 0 : i32
    %dma_start3A_21 = arith.constant 0 : i32
    %dma_start3A_22 = tpu.memref_slice %arg3[%dma_start3A_20, %dma_start3A_21] : memref<1000000x64xf32, #tpu.memory_space<hbm>> -> memref<1000000x64xf32, #tpu.memory_space<hbm>>
    tpu.enqueue_indirect_dma source(%dma_start3A_22 : memref<1000000x64xf32, #tpu.memory_space<hbm>>) target(%arg8 : memref<128x64xf32, #tpu.memory_space<vmem>>) offsets(%dma_start3A_19 : memref<128xi32, #tpu.memory_space<vmem>>) semaphore(%arg16 : memref<!tpu.dma_semaphore, #tpu.memory_space<semaphore_mem>>)
    %dma_start3A_23 = arith.constant 3 : i32
    %dma_start3A_24 = arith.constant 0 : i32
    %dma_start3A_25 = tpu.memref_slice %arg5[%dma_start3A_23, %dma_start3A_24] : memref<200x128xi32, #tpu.memory_space<vmem>> -> memref<1x128xi32, #tpu.memory_space<vmem>>
    %dma_start3A_26 = tpu.memref_squeeze %dma_start3A_25 : memref<1x128xi32, #tpu.memory_space<vmem>> -> memref<128xi32, #tpu.memory_space<vmem>>
    %dma_start3A_27 = arith.constant 0 : i32
    %dma_start3A_28 = arith.constant 0 : i32
    %dma_start3A_29 = tpu.memref_slice %arg3[%dma_start3A_27, %dma_start3A_28] : memref<1000000x64xf32, #tpu.memory_space<hbm>> -> memref<1000000x64xf32, #tpu.memory_space<hbm>>
    tpu.enqueue_indirect_dma source(%dma_start3A_29 : memref<1000000x64xf32, #tpu.memory_space<hbm>>) target(%arg9 : memref<128x64xf32, #tpu.memory_space<vmem>>) offsets(%dma_start3A_26 : memref<128xi32, #tpu.memory_space<vmem>>) semaphore(%arg17 : memref<!tpu.dma_semaphore, #tpu.memory_space<semaphore_mem>>)
    %scan3A = arith.constant 0 : i32
    %scan3A_30 = arith.constant 0 : i32
    %scan3A_31 = arith.constant 49 : i32
    %scan3A_32 = arith.addi %scan3A_30, %scan3A_31 : i32
    %scan3A_33 = arith.constant 1 : i32
    scf.for %scan3A_89 = %scan3A_30 to %scan3A_32 step %scan3A_33  : i32 {
      %mul3A_90 = arith.constant 4 : i32
      %mul3A_91 = arith.muli %scan3A_89, %mul3A_90 : i32
      %add3A_92 = arith.constant 0 : i32
      %add3A_93 = arith.addi %mul3A_91, %add3A_92 : i32
      %dma_wait3A_94 = arith.constant 0 : i32
      %dma_wait3A_95 = tpu.memref_slice %arg5[%add3A_93, %dma_wait3A_94] : memref<200x128xi32, #tpu.memory_space<vmem>> -> memref<1x128xi32, #tpu.memory_space<vmem>>
      %dma_wait3A_96 = tpu.memref_squeeze %dma_wait3A_95 : memref<1x128xi32, #tpu.memory_space<vmem>> -> memref<128xi32, #tpu.memory_space<vmem>>
      %dma_wait3A_97 = arith.constant 0 : i32
      %dma_wait3A_98 = arith.constant 0 : i32
      %dma_wait3A_99 = tpu.memref_slice %arg3[%dma_wait3A_97, %dma_wait3A_98] : memref<1000000x64xf32, #tpu.memory_space<hbm>> -> memref<1000000x64xf32, #tpu.memory_space<hbm>>
      tpu.wait_indirect_dma semaphore(%arg14 : memref<!tpu.dma_semaphore, #tpu.memory_space<semaphore_mem>>) src(%dma_wait3A_99 : memref<1000000x64xf32, #tpu.memory_space<hbm>>) dst(%arg6 : memref<128x64xf32, #tpu.memory_space<vmem>>)
      %scan3A_100 = arith.constant 0 : i32
      %scan3A_101 = arith.constant 0 : i32
      %scan3A_102 = arith.constant 64 : i32
      %scan3A_103 = arith.addi %scan3A_101, %scan3A_102 : i32
      %scan3A_104 = arith.constant 1 : i32
      scf.for %scan3A_186 = %scan3A_101 to %scan3A_103 step %scan3A_104  : i32 {
        %mul3A_187 = arith.constant 2 : i32
        %mul3A_188 = arith.muli %mul3A_187, %scan3A_186 : i32
        %add3A_189 = arith.constant 0 : i32
        %add3A_190 = arith.addi %mul3A_188, %add3A_189 : i32
        %get3A = arith.index_cast %add3A_190 : i32 to index
        %get3A_191 = arith.constant 0 : index
        %get3A_192 = tpu.vector_load %arg6[%get3A, %get3A_191] {strides = array<i32>} : memref<128x64xf32, #tpu.memory_space<vmem>>, vector<1x16xf32>,
        %get3A_193 = vector.shape_cast %get3A_192 : vector<1x16xf32> to vector<16xf32>
        %mul3A_194 = arith.constant 8.000000e+00 : f32
        %mul3A_195 = vector.broadcast %mul3A_194 : f32 to vector<16xf32>
        %mul3A_196 = arith.mulf %get3A_193, %mul3A_195 : vector<16xf32>
        %mul3A_197 = arith.constant 2 : i32
        %mul3A_198 = arith.muli %mul3A_197, %scan3A_186 : i32
        %add3A_199 = arith.constant 0 : i32
        %add3A_200 = arith.addi %mul3A_198, %add3A_199 : i32
        %swap3A = arith.index_cast %add3A_200 : i32 to index
        %swap3A_201 = arith.constant 0 : index
        %swap3A_202 = tpu.vector_load %arg10[%swap3A, %swap3A_201] {strides = array<i32>} : memref<128x64xf32, #tpu.memory_space<vmem>>, vector<1x16xf32>,
        %swap3A_203 = vector.shape_cast %swap3A_202 : vector<1x16xf32> to vector<16xf32>
        %swap3A_204 = vector.shape_cast %mul3A_196 : vector<16xf32> to vector<1x16xf32>
        tpu.vector_store %arg10[%swap3A, %swap3A_201], %swap3A_204 {strides = array<i32>} : memref<128x64xf32, #tpu.memory_space<vmem>>, vector<1x16xf32>,
        %mul3A_205 = arith.constant 2 : i32
        %mul3A_206 = arith.muli %mul3A_205, %scan3A_186 : i32
        %add3A_207 = arith.constant 0 : i32
        %add3A_208 = arith.addi %mul3A_206, %add3A_207 : i32
        %get3A_209 = arith.index_cast %add3A_208 : i32 to index
        %get3A_210 = arith.constant 16 : index
        %get3A_211 = tpu.vector_load %arg6[%get3A_209, %get3A_210] {strides = array<i32>} : memref<128x64xf32, #tpu.memory_space<vmem>>, vector<1x16xf32>,
        %get3A_212 = vector.shape_cast %get3A_211 : vector<1x16xf32> to vector<16xf32>
        %mul3A_213 = arith.constant 8.000000e+00 : f32
        %mul3A_214 = vector.broadcast %mul3A_213 : f32 to vector<16xf32>
        %mul3A_215 = arith.mulf %get3A_212, %mul3A_214 : vector<16xf32>
        %mul3A_216 = arith.constant 2 : i32
        %mul3A_217 = arith.muli %mul3A_216, %scan3A_186 : i32
        %add3A_218 = arith.constant 0 : i32
        %add3A_219 = arith.addi %mul3A_217, %add3A_218 : i32
        %swap3A_220 = arith.index_cast %add3A_219 : i32 to index
        %swap3A_221 = arith.constant 16 : index
        %swap3A_222 = tpu.vector_load %arg10[%swap3A_220, %swap3A_221] {strides = array<i32>} : memref<128x64xf32, #tpu.memory_space<vmem>>, vector<1x16xf32>,
        %swap3A_223 = vector.shape_cast %swap3A_222 : vector<1x16xf32> to vector<16xf32>
        %swap3A_224 = vector.shape_cast %mul3A_215 : vector<16xf32> to vector<1x16xf32>
        tpu.vector_store %arg10[%swap3A_220, %swap3A_221], %swap3A_224 {strides = array<i32>} : memref<128x64xf32, #tpu.memory_space<vmem>>, vector<1x16xf32>,
        %mul3A_225 = arith.constant 2 : i32
        %mul3A_226 = arith.muli %mul3A_225, %scan3A_186 : i32
        %add3A_227 = arith.constant 0 : i32
        %add3A_228 = arith.addi %mul3A_226, %add3A_227 : i32
        %get3A_229 = arith.index_cast %add3A_228 : i32 to index
        %get3A_230 = arith.constant 32 : index
        %get3A_231 = tpu.vector_load %arg6[%get3A_229, %get3A_230] {strides = array<i32>} : memref<128x64xf32, #tpu.memory_space<vmem>>, vector<1x16xf32>,
        %get3A_232 = vector.shape_cast %get3A_231 : vector<1x16xf32> to vector<16xf32>
        %mul3A_233 = arith.constant 8.000000e+00 : f32
        %mul3A_234 = vector.broadcast %mul3A_233 : f32 to vector<16xf32>
        %mul3A_235 = arith.mulf %get3A_232, %mul3A_234 : vector<16xf32>
        %mul3A_236 = arith.constant 2 : i32
        %mul3A_237 = arith.muli %mul3A_236, %scan3A_186 : i32
        %add3A_238 = arith.constant 0 : i32
        %add3A_239 = arith.addi %mul3A_237, %add3A_238 : i32
        %swap3A_240 = arith.index_cast %add3A_239 : i32 to index
        %swap3A_241 = arith.constant 32 : index
        %swap3A_242 = tpu.vector_load %arg10[%swap3A_240, %swap3A_241] {strides = array<i32>} : memref<128x64xf32, #tpu.memory_space<vmem>>, vector<1x16xf32>,
        %swap3A_243 = vector.shape_cast %swap3A_242 : vector<1x16xf32> to vector<16xf32>
        %swap3A_244 = vector.shape_cast %mul3A_235 : vector<16xf32> to vector<1x16xf32>
        tpu.vector_store %arg10[%swap3A_240, %swap3A_241], %swap3A_244 {strides = array<i32>} : memref<128x64xf32, #tpu.memory_space<vmem>>, vector<1x16xf32>,
        %mul3A_245 = arith.constant 2 : i32
        %mul3A_246 = arith.muli %mul3A_245, %scan3A_186 : i32
        %add3A_247 = arith.constant 0 : i32
        %add3A_248 = arith.addi %mul3A_246, %add3A_247 : i32
        %get3A_249 = arith.index_cast %add3A_248 : i32 to index
        %get3A_250 = arith.constant 48 : index
        %get3A_251 = tpu.vector_load %arg6[%get3A_249, %get3A_250] {strides = array<i32>} : memref<128x64xf32, #tpu.memory_space<vmem>>, vector<1x16xf32>,
        %get3A_252 = vector.shape_cast %get3A_251 : vector<1x16xf32> to vector<16xf32>
        %mul3A_253 = arith.constant 8.000000e+00 : f32
        %mul3A_254 = vector.broadcast %mul3A_253 : f32 to vector<16xf32>
        %mul3A_255 = arith.mulf %get3A_252, %mul3A_254 : vector<16xf32>
        %mul3A_256 = arith.constant 2 : i32
        %mul3A_257 = arith.muli %mul3A_256, %scan3A_186 : i32
        %add3A_258 = arith.constant 0 : i32
        %add3A_259 = arith.addi %mul3A_257, %add3A_258 : i32
        %swap3A_260 = arith.index_cast %add3A_259 : i32 to index
        %swap3A_261 = arith.constant 48 : index
        %swap3A_262 = tpu.vector_load %arg10[%swap3A_260, %swap3A_261] {strides = array<i32>} : memref<128x64xf32, #tpu.memory_space<vmem>>, vector<1x16xf32>,
        %swap3A_263 = vector.shape_cast %swap3A_262 : vector<1x16xf32> to vector<16xf32>
        %swap3A_264 = vector.shape_cast %mul3A_255 : vector<16xf32> to vector<1x16xf32>
        tpu.vector_store %arg10[%swap3A_260, %swap3A_261], %swap3A_264 {strides = array<i32>} : memref<128x64xf32, #tpu.memory_space<vmem>>, vector<1x16xf32>,
        %mul3A_265 = arith.constant 2 : i32
        %mul3A_266 = arith.muli %mul3A_265, %scan3A_186 : i32
        %add3A_267 = arith.constant 1 : i32
        %add3A_268 = arith.addi %mul3A_266, %add3A_267 : i32
        %get3A_269 = arith.index_cast %add3A_268 : i32 to index
        %get3A_270 = arith.constant 0 : index
        %get3A_271 = tpu.vector_load %arg6[%get3A_269, %get3A_270] {strides = array<i32>} : memref<128x64xf32, #tpu.memory_space<vmem>>, vector<1x16xf32>,
        %get3A_272 = vector.shape_cast %get3A_271 : vector<1x16xf32> to vector<16xf32>
        %mul3A_273 = arith.constant 8.000000e+00 : f32
        %mul3A_274 = vector.broadcast %mul3A_273 : f32 to vector<16xf32>
        %mul3A_275 = arith.mulf %get3A_272, %mul3A_274 : vector<16xf32>
        %mul3A_276 = arith.constant 2 : i32
        %mul3A_277 = arith.muli %mul3A_276, %scan3A_186 : i32
        %add3A_278 = arith.constant 1 : i32
        %add3A_279 = arith.addi %mul3A_277, %add3A_278 : i32
        %swap3A_280 = arith.index_cast %add3A_279 : i32 to index
        %swap3A_281 = arith.constant 0 : index
        %swap3A_282 = tpu.vector_load %arg10[%swap3A_280, %swap3A_281] {strides = array<i32>} : memref<128x64xf32, #tpu.memory_space<vmem>>, vector<1x16xf32>,
        %swap3A_283 = vector.shape_cast %swap3A_282 : vector<1x16xf32> to vector<16xf32>
        %swap3A_284 = vector.shape_cast %mul3A_275 : vector<16xf32> to vector<1x16xf32>
        tpu.vector_store %arg10[%swap3A_280, %swap3A_281], %swap3A_284 {strides = array<i32>} : memref<128x64xf32, #tpu.memory_space<vmem>>, vector<1x16xf32>,
        %mul3A_285 = arith.constant 2 : i32
        %mul3A_286 = arith.muli %mul3A_285, %scan3A_186 : i32
        %add3A_287 = arith.constant 1 : i32
        %add3A_288 = arith.addi %mul3A_286, %add3A_287 : i32
        %get3A_289 = arith.index_cast %add3A_288 : i32 to index
        %get3A_290 = arith.constant 16 : index
        %get3A_291 = tpu.vector_load %arg6[%get3A_289, %get3A_290] {strides = array<i32>} : memref<128x64xf32, #tpu.memory_space<vmem>>, vector<1x16xf32>,
        %get3A_292 = vector.shape_cast %get3A_291 : vector<1x16xf32> to vector<16xf32>
        %mul3A_293 = arith.constant 8.000000e+00 : f32
        %mul3A_294 = vector.broadcast %mul3A_293 : f32 to vector<16xf32>
        %mul3A_295 = arith.mulf %get3A_292, %mul3A_294 : vector<16xf32>
        %mul3A_296 = arith.constant 2 : i32
        %mul3A_297 = arith.muli %mul3A_296, %scan3A_186 : i32
        %add3A_298 = arith.constant 1 : i32
        %add3A_299 = arith.addi %mul3A_297, %add3A_298 : i32
        %swap3A_300 = arith.index_cast %add3A_299 : i32 to index
        %swap3A_301 = arith.constant 16 : index
        %swap3A_302 = tpu.vector_load %arg10[%swap3A_300, %swap3A_301] {strides = array<i32>} : memref<128x64xf32, #tpu.memory_space<vmem>>, vector<1x16xf32>,
        %swap3A_303 = vector.shape_cast %swap3A_302 : vector<1x16xf32> to vector<16xf32>
        %swap3A_304 = vector.shape_cast %mul3A_295 : vector<16xf32> to vector<1x16xf32>
        tpu.vector_store %arg10[%swap3A_300, %swap3A_301], %swap3A_304 {strides = array<i32>} : memref<128x64xf32, #tpu.memory_space<vmem>>, vector<1x16xf32>,
        %mul3A_305 = arith.constant 2 : i32
        %mul3A_306 = arith.muli %mul3A_305, %scan3A_186 : i32
        %add3A_307 = arith.constant 1 : i32
        %add3A_308 = arith.addi %mul3A_306, %add3A_307 : i32
        %get3A_309 = arith.index_cast %add3A_308 : i32 to index
        %get3A_310 = arith.constant 32 : index
        %get3A_311 = tpu.vector_load %arg6[%get3A_309, %get3A_310] {strides = array<i32>} : memref<128x64xf32, #tpu.memory_space<vmem>>, vector<1x16xf32>,
        %get3A_312 = vector.shape_cast %get3A_311 : vector<1x16xf32> to vector<16xf32>
        %mul3A_313 = arith.constant 8.000000e+00 : f32
        %mul3A_314 = vector.broadcast %mul3A_313 : f32 to vector<16xf32>
        %mul3A_315 = arith.mulf %get3A_312, %mul3A_314 : vector<16xf32>
        %mul3A_316 = arith.constant 2 : i32
        %mul3A_317 = arith.muli %mul3A_316, %scan3A_186 : i32
        %add3A_318 = arith.constant 1 : i32
        %add3A_319 = arith.addi %mul3A_317, %add3A_318 : i32
        %swap3A_320 = arith.index_cast %add3A_319 : i32 to index
        %swap3A_321 = arith.constant 32 : index
        %swap3A_322 = tpu.vector_load %arg10[%swap3A_320, %swap3A_321] {strides = array<i32>} : memref<128x64xf32, #tpu.memory_space<vmem>>, vector<1x16xf32>,
        %swap3A_323 = vector.shape_cast %swap3A_322 : vector<1x16xf32> to vector<16xf32>
        %swap3A_324 = vector.shape_cast %mul3A_315 : vector<16xf32> to vector<1x16xf32>
        tpu.vector_store %arg10[%swap3A_320, %swap3A_321], %swap3A_324 {strides = array<i32>} : memref<128x64xf32, #tpu.memory_space<vmem>>, vector<1x16xf32>,
        %mul3A_325 = arith.constant 2 : i32
        %mul3A_326 = arith.muli %mul3A_325, %scan3A_186 : i32
        %add3A_327 = arith.constant 1 : i32
        %add3A_328 = arith.addi %mul3A_326, %add3A_327 : i32
        %get3A_329 = arith.index_cast %add3A_328 : i32 to index
        %get3A_330 = arith.constant 48 : index
        %get3A_331 = tpu.vector_load %arg6[%get3A_329, %get3A_330] {strides = array<i32>} : memref<128x64xf32, #tpu.memory_space<vmem>>, vector<1x16xf32>,
        %get3A_332 = vector.shape_cast %get3A_331 : vector<1x16xf32> to vector<16xf32>
        %mul3A_333 = arith.constant 8.000000e+00 : f32
        %mul3A_334 = vector.broadcast %mul3A_333 : f32 to vector<16xf32>
        %mul3A_335 = arith.mulf %get3A_332, %mul3A_334 : vector<16xf32>
        %mul3A_336 = arith.constant 2 : i32
        %mul3A_337 = arith.muli %mul3A_336, %scan3A_186 : i32
        %add3A_338 = arith.constant 1 : i32
        %add3A_339 = arith.addi %mul3A_337, %add3A_338 : i32
        %swap3A_340 = arith.index_cast %add3A_339 : i32 to index
        %swap3A_341 = arith.constant 48 : index
        %swap3A_342 = tpu.vector_load %arg10[%swap3A_340, %swap3A_341] {strides = array<i32>} : memref<128x64xf32, #tpu.memory_space<vmem>>, vector<1x16xf32>,
        %swap3A_343 = vector.shape_cast %swap3A_342 : vector<1x16xf32> to vector<16xf32>
        %swap3A_344 = vector.shape_cast %mul3A_335 : vector<16xf32> to vector<1x16xf32>
        tpu.vector_store %arg10[%swap3A_340, %swap3A_341], %swap3A_344 {strides = array<i32>} : memref<128x64xf32, #tpu.memory_space<vmem>>, vector<1x16xf32>,
      }
      %scan3A_105 = arith.constant 64 : i32
      %add3A_106 = arith.constant 4 : i32
      %add3A_107 = arith.addi %add3A_93, %add3A_106 : i32
      %dma_start3A_108 = arith.constant 0 : i32
      %dma_start3A_109 = tpu.memref_slice %arg5[%add3A_107, %dma_start3A_108] : memref<200x128xi32, #tpu.memory_space<vmem>> -> memref<1x128xi32, #tpu.memory_space<vmem>>
      %dma_start3A_110 = tpu.memref_squeeze %dma_start3A_109 : memref<1x128xi32, #tpu.memory_space<vmem>> -> memref<128xi32, #tpu.memory_space<vmem>>
      %dma_start3A_111 = arith.constant 0 : i32
      %dma_start3A_112 = arith.constant 0 : i32
      %dma_start3A_113 = tpu.memref_slice %arg3[%dma_start3A_111, %dma_start3A_112] : memref<1000000x64xf32, #tpu.memory_space<hbm>> -> memref<1000000x64xf32, #tpu.memory_space<hbm>>
      tpu.enqueue_indirect_dma source(%dma_start3A_113 : memref<1000000x64xf32, #tpu.memory_space<hbm>>) target(%arg6 : memref<128x64xf32, #tpu.memory_space<vmem>>) offsets(%dma_start3A_110 : memref<128xi32, #tpu.memory_space<vmem>>) semaphore(%arg14 : memref<!tpu.dma_semaphore, #tpu.memory_space<semaphore_mem>>)
      "tpu.region"() ({
        %run_scoped3A_186 = tpu.sem_alloc : memref<!tpu.dma_semaphore, #tpu.memory_space<semaphore_mem>>
        %dma_start3A_187 = arith.constant 0 : i32
        %dma_start3A_188 = tpu.memref_slice %arg4[%add3A_93, %mul3A_2, %dma_start3A_187] : memref<200x4096x64xf32, #tpu.memory_space<hbm>> -> memref<1x128x64xf32, #tpu.memory_space<hbm>>
        %dma_start3A_189 = tpu.memref_squeeze %dma_start3A_188 : memref<1x128x64xf32, #tpu.memory_space<hbm>> -> memref<128x64xf32, #tpu.memory_space<hbm>>
        %dma_start3A_190 = arith.constant 0 : i32
        %dma_start3A_191 = tpu.memref_slice %arg4[%add3A_93, %mul3A_2, %dma_start3A_190] : memref<200x4096x64xf32, #tpu.memory_space<hbm>> -> memref<1x128x64xf32, #tpu.memory_space<hbm>>
        %dma_start3A_192 = tpu.memref_squeeze %dma_start3A_191 : memref<1x128x64xf32, #tpu.memory_space<hbm>> -> memref<128x64xf32, #tpu.memory_space<hbm>>
        tpu.enqueue_dma source(%arg10 : memref<128x64xf32, #tpu.memory_space<vmem>>) target(%dma_start3A_192 : memref<128x64xf32, #tpu.memory_space<hbm>>) target_semaphore(%run_scoped3A_186 : memref<!tpu.dma_semaphore, #tpu.memory_space<semaphore_mem>>)
        %dma_wait3A_193 = arith.constant 0 : i32
        %dma_wait3A_194 = tpu.memref_slice %arg4[%add3A_93, %mul3A_2, %dma_wait3A_193] : memref<200x4096x64xf32, #tpu.memory_space<hbm>> -> memref<1x128x64xf32, #tpu.memory_space<hbm>>
        %dma_wait3A_195 = tpu.memref_squeeze %dma_wait3A_194 : memref<1x128x64xf32, #tpu.memory_space<hbm>> -> memref<128x64xf32, #tpu.memory_space<hbm>>
        %dma_wait3A_196 = arith.constant 0 : i32
        %dma_wait3A_197 = tpu.memref_slice %arg4[%add3A_93, %mul3A_2, %dma_wait3A_196] : memref<200x4096x64xf32, #tpu.memory_space<hbm>> -> memref<1x128x64xf32, #tpu.memory_space<hbm>>
        %dma_wait3A_198 = tpu.memref_squeeze %dma_wait3A_197 : memref<1x128x64xf32, #tpu.memory_space<hbm>> -> memref<128x64xf32, #tpu.memory_space<hbm>>
        tpu.wait_dma2 semaphore(%run_scoped3A_186 : memref<!tpu.dma_semaphore, #tpu.memory_space<semaphore_mem>>) src(%arg10 : memref<128x64xf32, #tpu.memory_space<vmem>>) dst(%dma_wait3A_198 : memref<128x64xf32, #tpu.memory_space<hbm>>)
        tpu.yield
      }) : () -> ()
      %mul3A_114 = arith.constant 4 : i32
      %mul3A_115 = arith.muli %scan3A_89, %mul3A_114 : i32
      %add3A_116 = arith.constant 1 : i32
      %add3A_117 = arith.addi %mul3A_115, %add3A_116 : i32
      %dma_wait3A_118 = arith.constant 0 : i32
      %dma_wait3A_119 = tpu.memref_slice %arg5[%add3A_117, %dma_wait3A_118] : memref<200x128xi32, #tpu.memory_space<vmem>> -> memref<1x128xi32, #tpu.memory_space<vmem>>
      %dma_wait3A_120 = tpu.memref_squeeze %dma_wait3A_119 : memref<1x128xi32, #tpu.memory_space<vmem>> -> memref<128xi32, #tpu.memory_space<vmem>>
      %dma_wait3A_121 = arith.constant 0 : i32
      %dma_wait3A_122 = arith.constant 0 : i32
      %dma_wait3A_123 = tpu.memref_slice %arg3[%dma_wait3A_121, %dma_wait3A_122] : memref<1000000x64xf32, #tpu.memory_space<hbm>> -> memref<1000000x64xf32, #tpu.memory_space<hbm>>
      tpu.wait_indirect_dma semaphore(%arg15 : memref<!tpu.dma_semaphore, #tpu.memory_space<semaphore_mem>>) src(%dma_wait3A_123 : memref<1000000x64xf32, #tpu.memory_space<hbm>>) dst(%arg7 : memref<128x64xf32, #tpu.memory_space<vmem>>)
      %scan3A_124 = arith.constant 0 : i32
      %scan3A_125 = arith.constant 0 : i32
      %scan3A_126 = arith.constant 64 : i32
      %scan3A_127 = arith.addi %scan3A_125, %scan3A_126 : i32
      %scan3A_128 = arith.constant 1 : i32
      scf.for %scan3A_186 = %scan3A_125 to %scan3A_127 step %scan3A_128  : i32 {
        %mul3A_187 = arith.constant 2 : i32
        %mul3A_188 = arith.muli %mul3A_187, %scan3A_186 : i32
        %add3A_189 = arith.constant 0 : i32
        %add3A_190 = arith.addi %mul3A_188, %add3A_189 : i32
        %get3A = arith.index_cast %add3A_190 : i32 to index
        %get3A_191 = arith.constant 0 : index
        %get3A_192 = tpu.vector_load %arg7[%get3A, %get3A_191] {strides = array<i32>} : memref<128x64xf32, #tpu.memory_space<vmem>>, vector<1x16xf32>,
        %get3A_193 = vector.shape_cast %get3A_192 : vector<1x16xf32> to vector<16xf32>
        %mul3A_194 = arith.constant 8.000000e+00 : f32
        %mul3A_195 = vector.broadcast %mul3A_194 : f32 to vector<16xf32>
        %mul3A_196 = arith.mulf %get3A_193, %mul3A_195 : vector<16xf32>
        %mul3A_197 = arith.constant 2 : i32
        %mul3A_198 = arith.muli %mul3A_197, %scan3A_186 : i32
        %add3A_199 = arith.constant 0 : i32
        %add3A_200 = arith.addi %mul3A_198, %add3A_199 : i32
        %swap3A = arith.index_cast %add3A_200 : i32 to index
        %swap3A_201 = arith.constant 0 : index
        %swap3A_202 = tpu.vector_load %arg11[%swap3A, %swap3A_201] {strides = array<i32>} : memref<128x64xf32, #tpu.memory_space<vmem>>, vector<1x16xf32>,
        %swap3A_203 = vector.shape_cast %swap3A_202 : vector<1x16xf32> to vector<16xf32>
        %swap3A_204 = vector.shape_cast %mul3A_196 : vector<16xf32> to vector<1x16xf32>
        tpu.vector_store %arg11[%swap3A, %swap3A_201], %swap3A_204 {strides = array<i32>} : memref<128x64xf32, #tpu.memory_space<vmem>>, vector<1x16xf32>,
        %mul3A_205 = arith.constant 2 : i32
        %mul3A_206 = arith.muli %mul3A_205, %scan3A_186 : i32
        %add3A_207 = arith.constant 0 : i32
        %add3A_208 = arith.addi %mul3A_206, %add3A_207 : i32
        %get3A_209 = arith.index_cast %add3A_208 : i32 to index
        %get3A_210 = arith.constant 16 : index
        %get3A_211 = tpu.vector_load %arg7[%get3A_209, %get3A_210] {strides = array<i32>} : memref<128x64xf32, #tpu.memory_space<vmem>>, vector<1x16xf32>,
        %get3A_212 = vector.shape_cast %get3A_211 : vector<1x16xf32> to vector<16xf32>
        %mul3A_213 = arith.constant 8.000000e+00 : f32
        %mul3A_214 = vector.broadcast %mul3A_213 : f32 to vector<16xf32>
        %mul3A_215 = arith.mulf %get3A_212, %mul3A_214 : vector<16xf32>
        %mul3A_216 = arith.constant 2 : i32
        %mul3A_217 = arith.muli %mul3A_216, %scan3A_186 : i32
        %add3A_218 = arith.constant 0 : i32
        %add3A_219 = arith.addi %mul3A_217, %add3A_218 : i32
        %swap3A_220 = arith.index_cast %add3A_219 : i32 to index
        %swap3A_221 = arith.constant 16 : index
        %swap3A_222 = tpu.vector_load %arg11[%swap3A_220, %swap3A_221] {strides = array<i32>} : memref<128x64xf32, #tpu.memory_space<vmem>>, vector<1x16xf32>,
        %swap3A_223 = vector.shape_cast %swap3A_222 : vector<1x16xf32> to vector<16xf32>
        %swap3A_224 = vector.shape_cast %mul3A_215 : vector<16xf32> to vector<1x16xf32>
        tpu.vector_store %arg11[%swap3A_220, %swap3A_221], %swap3A_224 {strides = array<i32>} : memref<128x64xf32, #tpu.memory_space<vmem>>, vector<1x16xf32>,
        %mul3A_225 = arith.constant 2 : i32
        %mul3A_226 = arith.muli %mul3A_225, %scan3A_186 : i32
        %add3A_227 = arith.constant 0 : i32
        %add3A_228 = arith.addi %mul3A_226, %add3A_227 : i32
        %get3A_229 = arith.index_cast %add3A_228 : i32 to index
        %get3A_230 = arith.constant 32 : index
        %get3A_231 = tpu.vector_load %arg7[%get3A_229, %get3A_230] {strides = array<i32>} : memref<128x64xf32, #tpu.memory_space<vmem>>, vector<1x16xf32>,
        %get3A_232 = vector.shape_cast %get3A_231 : vector<1x16xf32> to vector<16xf32>
        %mul3A_233 = arith.constant 8.000000e+00 : f32
        %mul3A_234 = vector.broadcast %mul3A_233 : f32 to vector<16xf32>
        %mul3A_235 = arith.mulf %get3A_232, %mul3A_234 : vector<16xf32>
        %mul3A_236 = arith.constant 2 : i32
        %mul3A_237 = arith.muli %mul3A_236, %scan3A_186 : i32
        %add3A_238 = arith.constant 0 : i32
        %add3A_239 = arith.addi %mul3A_237, %add3A_238 : i32
        %swap3A_240 = arith.index_cast %add3A_239 : i32 to index
        %swap3A_241 = arith.constant 32 : index
        %swap3A_242 = tpu.vector_load %arg11[%swap3A_240, %swap3A_241] {strides = array<i32>} : memref<128x64xf32, #tpu.memory_space<vmem>>, vector<1x16xf32>,
        %swap3A_243 = vector.shape_cast %swap3A_242 : vector<1x16xf32> to vector<16xf32>
        %swap3A_244 = vector.shape_cast %mul3A_235 : vector<16xf32> to vector<1x16xf32>
        tpu.vector_store %arg11[%swap3A_240, %swap3A_241], %swap3A_244 {strides = array<i32>} : memref<128x64xf32, #tpu.memory_space<vmem>>, vector<1x16xf32>,
        %mul3A_245 = arith.constant 2 : i32
        %mul3A_246 = arith.muli %mul3A_245, %scan3A_186 : i32
        %add3A_247 = arith.constant 0 : i32
        %add3A_248 = arith.addi %mul3A_246, %add3A_247 : i32
        %get3A_249 = arith.index_cast %add3A_248 : i32 to index
        %get3A_250 = arith.constant 48 : index
        %get3A_251 = tpu.vector_load %arg7[%get3A_249, %get3A_250] {strides = array<i32>} : memref<128x64xf32, #tpu.memory_space<vmem>>, vector<1x16xf32>,
        %get3A_252 = vector.shape_cast %get3A_251 : vector<1x16xf32> to vector<16xf32>
        %mul3A_253 = arith.constant 8.000000e+00 : f32
        %mul3A_254 = vector.broadcast %mul3A_253 : f32 to vector<16xf32>
        %mul3A_255 = arith.mulf %get3A_252, %mul3A_254 : vector<16xf32>
        %mul3A_256 = arith.constant 2 : i32
        %mul3A_257 = arith.muli %mul3A_256, %scan3A_186 : i32
        %add3A_258 = arith.constant 0 : i32
        %add3A_259 = arith.addi %mul3A_257, %add3A_258 : i32
        %swap3A_260 = arith.index_cast %add3A_259 : i32 to index
        %swap3A_261 = arith.constant 48 : index
        %swap3A_262 = tpu.vector_load %arg11[%swap3A_260, %swap3A_261] {strides = array<i32>} : memref<128x64xf32, #tpu.memory_space<vmem>>, vector<1x16xf32>,
        %swap3A_263 = vector.shape_cast %swap3A_262 : vector<1x16xf32> to vector<16xf32>
        %swap3A_264 = vector.shape_cast %mul3A_255 : vector<16xf32> to vector<1x16xf32>
        tpu.vector_store %arg11[%swap3A_260, %swap3A_261], %swap3A_264 {strides = array<i32>} : memref<128x64xf32, #tpu.memory_space<vmem>>, vector<1x16xf32>,
        %mul3A_265 = arith.constant 2 : i32
        %mul3A_266 = arith.muli %mul3A_265, %scan3A_186 : i32
        %add3A_267 = arith.constant 1 : i32
        %add3A_268 = arith.addi %mul3A_266, %add3A_267 : i32
        %get3A_269 = arith.index_cast %add3A_268 : i32 to index
        %get3A_270 = arith.constant 0 : index
        %get3A_271 = tpu.vector_load %arg7[%get3A_269, %get3A_270] {strides = array<i32>} : memref<128x64xf32, #tpu.memory_space<vmem>>, vector<1x16xf32>,
        %get3A_272 = vector.shape_cast %get3A_271 : vector<1x16xf32> to vector<16xf32>
        %mul3A_273 = arith.constant 8.000000e+00 : f32
        %mul3A_274 = vector.broadcast %mul3A_273 : f32 to vector<16xf32>
        %mul3A_275 = arith.mulf %get3A_272, %mul3A_274 : vector<16xf32>
        %mul3A_276 = arith.constant 2 : i32
        %mul3A_277 = arith.muli %mul3A_276, %scan3A_186 : i32
        %add3A_278 = arith.constant 1 : i32
        %add3A_279 = arith.addi %mul3A_277, %add3A_278 : i32
        %swap3A_280 = arith.index_cast %add3A_279 : i32 to index
        %swap3A_281 = arith.constant 0 : index
        %swap3A_282 = tpu.vector_load %arg11[%swap3A_280, %swap3A_281] {strides = array<i32>} : memref<128x64xf32, #tpu.memory_space<vmem>>, vector<1x16xf32>,
        %swap3A_283 = vector.shape_cast %swap3A_282 : vector<1x16xf32> to vector<16xf32>
        %swap3A_284 = vector.shape_cast %mul3A_275 : vector<16xf32> to vector<1x16xf32>
        tpu.vector_store %arg11[%swap3A_280, %swap3A_281], %swap3A_284 {strides = array<i32>} : memref<128x64xf32, #tpu.memory_space<vmem>>, vector<1x16xf32>,
        %mul3A_285 = arith.constant 2 : i32
        %mul3A_286 = arith.muli %mul3A_285, %scan3A_186 : i32
        %add3A_287 = arith.constant 1 : i32
        %add3A_288 = arith.addi %mul3A_286, %add3A_287 : i32
        %get3A_289 = arith.index_cast %add3A_288 : i32 to index
        %get3A_290 = arith.constant 16 : index
        %get3A_291 = tpu.vector_load %arg7[%get3A_289, %get3A_290] {strides = array<i32>} : memref<128x64xf32, #tpu.memory_space<vmem>>, vector<1x16xf32>,
        %get3A_292 = vector.shape_cast %get3A_291 : vector<1x16xf32> to vector<16xf32>
        %mul3A_293 = arith.constant 8.000000e+00 : f32
        %mul3A_294 = vector.broadcast %mul3A_293 : f32 to vector<16xf32>
        %mul3A_295 = arith.mulf %get3A_292, %mul3A_294 : vector<16xf32>
        %mul3A_296 = arith.constant 2 : i32
        %mul3A_297 = arith.muli %mul3A_296, %scan3A_186 : i32
        %add3A_298 = arith.constant 1 : i32
        %add3A_299 = arith.addi %mul3A_297, %add3A_298 : i32
        %swap3A_300 = arith.index_cast %add3A_299 : i32 to index
        %swap3A_301 = arith.constant 16 : index
        %swap3A_302 = tpu.vector_load %arg11[%swap3A_300, %swap3A_301] {strides = array<i32>} : memref<128x64xf32, #tpu.memory_space<vmem>>, vector<1x16xf32>,
        %swap3A_303 = vector.shape_cast %swap3A_302 : vector<1x16xf32> to vector<16xf32>
        %swap3A_304 = vector.shape_cast %mul3A_295 : vector<16xf32> to vector<1x16xf32>
        tpu.vector_store %arg11[%swap3A_300, %swap3A_301], %swap3A_304 {strides = array<i32>} : memref<128x64xf32, #tpu.memory_space<vmem>>, vector<1x16xf32>,
        %mul3A_305 = arith.constant 2 : i32
        %mul3A_306 = arith.muli %mul3A_305, %scan3A_186 : i32
        %add3A_307 = arith.constant 1 : i32
        %add3A_308 = arith.addi %mul3A_306, %add3A_307 : i32
        %get3A_309 = arith.index_cast %add3A_308 : i32 to index
        %get3A_310 = arith.constant 32 : index
        %get3A_311 = tpu.vector_load %arg7[%get3A_309, %get3A_310] {strides = array<i32>} : memref<128x64xf32, #tpu.memory_space<vmem>>, vector<1x16xf32>,
        %get3A_312 = vector.shape_cast %get3A_311 : vector<1x16xf32> to vector<16xf32>
        %mul3A_313 = arith.constant 8.000000e+00 : f32
        %mul3A_314 = vector.broadcast %mul3A_313 : f32 to vector<16xf32>
        %mul3A_315 = arith.mulf %get3A_312, %mul3A_314 : vector<16xf32>
        %mul3A_316 = arith.constant 2 : i32
        %mul3A_317 = arith.muli %mul3A_316, %scan3A_186 : i32
        %add3A_318 = arith.constant 1 : i32
        %add3A_319 = arith.addi %mul3A_317, %add3A_318 : i32
        %swap3A_320 = arith.index_cast %add3A_319 : i32 to index
        %swap3A_321 = arith.constant 32 : index
        %swap3A_322 = tpu.vector_load %arg11[%swap3A_320, %swap3A_321] {strides = array<i32>} : memref<128x64xf32, #tpu.memory_space<vmem>>, vector<1x16xf32>,
        %swap3A_323 = vector.shape_cast %swap3A_322 : vector<1x16xf32> to vector<16xf32>
        %swap3A_324 = vector.shape_cast %mul3A_315 : vector<16xf32> to vector<1x16xf32>
        tpu.vector_store %arg11[%swap3A_320, %swap3A_321], %swap3A_324 {strides = array<i32>} : memref<128x64xf32, #tpu.memory_space<vmem>>, vector<1x16xf32>,
        %mul3A_325 = arith.constant 2 : i32
        %mul3A_326 = arith.muli %mul3A_325, %scan3A_186 : i32
        %add3A_327 = arith.constant 1 : i32
        %add3A_328 = arith.addi %mul3A_326, %add3A_327 : i32
        %get3A_329 = arith.index_cast %add3A_328 : i32 to index
        %get3A_330 = arith.constant 48 : index
        %get3A_331 = tpu.vector_load %arg7[%get3A_329, %get3A_330] {strides = array<i32>} : memref<128x64xf32, #tpu.memory_space<vmem>>, vector<1x16xf32>,
        %get3A_332 = vector.shape_cast %get3A_331 : vector<1x16xf32> to vector<16xf32>
        %mul3A_333 = arith.constant 8.000000e+00 : f32
        %mul3A_334 = vector.broadcast %mul3A_333 : f32 to vector<16xf32>
        %mul3A_335 = arith.mulf %get3A_332, %mul3A_334 : vector<16xf32>
        %mul3A_336 = arith.constant 2 : i32
        %mul3A_337 = arith.muli %mul3A_336, %scan3A_186 : i32
        %add3A_338 = arith.constant 1 : i32
        %add3A_339 = arith.addi %mul3A_337, %add3A_338 : i32
        %swap3A_340 = arith.index_cast %add3A_339 : i32 to index
        %swap3A_341 = arith.constant 48 : index
        %swap3A_342 = tpu.vector_load %arg11[%swap3A_340, %swap3A_341] {strides = array<i32>} : memref<128x64xf32, #tpu.memory_space<vmem>>, vector<1x16xf32>,
        %swap3A_343 = vector.shape_cast %swap3A_342 : vector<1x16xf32> to vector<16xf32>
        %swap3A_344 = vector.shape_cast %mul3A_335 : vector<16xf32> to vector<1x16xf32>
        tpu.vector_store %arg11[%swap3A_340, %swap3A_341], %swap3A_344 {strides = array<i32>} : memref<128x64xf32, #tpu.memory_space<vmem>>, vector<1x16xf32>,
      }
      %scan3A_129 = arith.constant 64 : i32
      %add3A_130 = arith.constant 4 : i32
      %add3A_131 = arith.addi %add3A_117, %add3A_130 : i32
      %dma_start3A_132 = arith.constant 0 : i32
      %dma_start3A_133 = tpu.memref_slice %arg5[%add3A_131, %dma_start3A_132] : memref<200x128xi32, #tpu.memory_space<vmem>> -> memref<1x128xi32, #tpu.memory_space<vmem>>
      %dma_start3A_134 = tpu.memref_squeeze %dma_start3A_133 : memref<1x128xi32, #tpu.memory_space<vmem>> -> memref<128xi32, #tpu.memory_space<vmem>>
      %dma_start3A_135 = arith.constant 0 : i32
      %dma_start3A_136 = arith.constant 0 : i32
      %dma_start3A_137 = tpu.memref_slice %arg3[%dma_start3A_135, %dma_start3A_136] : memref<1000000x64xf32, #tpu.memory_space<hbm>> -> memref<1000000x64xf32, #tpu.memory_space<hbm>>
      tpu.enqueue_indirect_dma source(%dma_start3A_137 : memref<1000000x64xf32, #tpu.memory_space<hbm>>) target(%arg7 : memref<128x64xf32, #tpu.memory_space<vmem>>) offsets(%dma_start3A_134 : memref<128xi32, #tpu.memory_space<vmem>>) semaphore(%arg15 : memref<!tpu.dma_semaphore, #tpu.memory_space<semaphore_mem>>)
      "tpu.region"() ({
        %run_scoped3A_186 = tpu.sem_alloc : memref<!tpu.dma_semaphore, #tpu.memory_space<semaphore_mem>>
        %dma_start3A_187 = arith.constant 0 : i32
        %dma_start3A_188 = tpu.memref_slice %arg4[%add3A_117, %mul3A_2, %dma_start3A_187] : memref<200x4096x64xf32, #tpu.memory_space<hbm>> -> memref<1x128x64xf32, #tpu.memory_space<hbm>>
        %dma_start3A_189 = tpu.memref_squeeze %dma_start3A_188 : memref<1x128x64xf32, #tpu.memory_space<hbm>> -> memref<128x64xf32, #tpu.memory_space<hbm>>
        %dma_start3A_190 = arith.constant 0 : i32
        %dma_start3A_191 = tpu.memref_slice %arg4[%add3A_117, %mul3A_2, %dma_start3A_190] : memref<200x4096x64xf32, #tpu.memory_space<hbm>> -> memref<1x128x64xf32, #tpu.memory_space<hbm>>
        %dma_start3A_192 = tpu.memref_squeeze %dma_start3A_191 : memref<1x128x64xf32, #tpu.memory_space<hbm>> -> memref<128x64xf32, #tpu.memory_space<hbm>>
        tpu.enqueue_dma source(%arg11 : memref<128x64xf32, #tpu.memory_space<vmem>>) target(%dma_start3A_192 : memref<128x64xf32, #tpu.memory_space<hbm>>) target_semaphore(%run_scoped3A_186 : memref<!tpu.dma_semaphore, #tpu.memory_space<semaphore_mem>>)
        %dma_wait3A_193 = arith.constant 0 : i32
        %dma_wait3A_194 = tpu.memref_slice %arg4[%add3A_117, %mul3A_2, %dma_wait3A_193] : memref<200x4096x64xf32, #tpu.memory_space<hbm>> -> memref<1x128x64xf32, #tpu.memory_space<hbm>>
        %dma_wait3A_195 = tpu.memref_squeeze %dma_wait3A_194 : memref<1x128x64xf32, #tpu.memory_space<hbm>> -> memref<128x64xf32, #tpu.memory_space<hbm>>
        %dma_wait3A_196 = arith.constant 0 : i32
        %dma_wait3A_197 = tpu.memref_slice %arg4[%add3A_117, %mul3A_2, %dma_wait3A_196] : memref<200x4096x64xf32, #tpu.memory_space<hbm>> -> memref<1x128x64xf32, #tpu.memory_space<hbm>>
        %dma_wait3A_198 = tpu.memref_squeeze %dma_wait3A_197 : memref<1x128x64xf32, #tpu.memory_space<hbm>> -> memref<128x64xf32, #tpu.memory_space<hbm>>
        tpu.wait_dma2 semaphore(%run_scoped3A_186 : memref<!tpu.dma_semaphore, #tpu.memory_space<semaphore_mem>>) src(%arg11 : memref<128x64xf32, #tpu.memory_space<vmem>>) dst(%dma_wait3A_198 : memref<128x64xf32, #tpu.memory_space<hbm>>)
        tpu.yield
      }) : () -> ()
      %mul3A_138 = arith.constant 4 : i32
      %mul3A_139 = arith.muli %scan3A_89, %mul3A_138 : i32
      %add3A_140 = arith.constant 2 : i32
      %add3A_141 = arith.addi %mul3A_139, %add3A_140 : i32
      %dma_wait3A_142 = arith.constant 0 : i32
      %dma_wait3A_143 = tpu.memref_slice %arg5[%add3A_141, %dma_wait3A_142] : memref<200x128xi32, #tpu.memory_space<vmem>> -> memref<1x128xi32, #tpu.memory_space<vmem>>
      %dma_wait3A_144 = tpu.memref_squeeze %dma_wait3A_143 : memref<1x128xi32, #tpu.memory_space<vmem>> -> memref<128xi32, #tpu.memory_space<vmem>>
      %dma_wait3A_145 = arith.constant 0 : i32
      %dma_wait3A_146 = arith.constant 0 : i32
      %dma_wait3A_147 = tpu.memref_slice %arg3[%dma_wait3A_145, %dma_wait3A_146] : memref<1000000x64xf32, #tpu.memory_space<hbm>> -> memref<1000000x64xf32, #tpu.memory_space<hbm>>
      tpu.wait_indirect_dma semaphore(%arg16 : memref<!tpu.dma_semaphore, #tpu.memory_space<semaphore_mem>>) src(%dma_wait3A_147 : memref<1000000x64xf32, #tpu.memory_space<hbm>>) dst(%arg8 : memref<128x64xf32, #tpu.memory_space<vmem>>)
      %scan3A_148 = arith.constant 0 : i32
      %scan3A_149 = arith.constant 0 : i32
      %scan3A_150 = arith.constant 64 : i32
      %scan3A_151 = arith.addi %scan3A_149, %scan3A_150 : i32
      %scan3A_152 = arith.constant 1 : i32
      scf.for %scan3A_186 = %scan3A_149 to %scan3A_151 step %scan3A_152  : i32 {
        %mul3A_187 = arith.constant 2 : i32
        %mul3A_188 = arith.muli %mul3A_187, %scan3A_186 : i32
        %add3A_189 = arith.constant 0 : i32
        %add3A_190 = arith.addi %mul3A_188, %add3A_189 : i32
        %get3A = arith.index_cast %add3A_190 : i32 to index
        %get3A_191 = arith.constant 0 : index
        %get3A_192 = tpu.vector_load %arg8[%get3A, %get3A_191] {strides = array<i32>} : memref<128x64xf32, #tpu.memory_space<vmem>>, vector<1x16xf32>,
        %get3A_193 = vector.shape_cast %get3A_192 : vector<1x16xf32> to vector<16xf32>
        %mul3A_194 = arith.constant 8.000000e+00 : f32
        %mul3A_195 = vector.broadcast %mul3A_194 : f32 to vector<16xf32>
        %mul3A_196 = arith.mulf %get3A_193, %mul3A_195 : vector<16xf32>
        %mul3A_197 = arith.constant 2 : i32
        %mul3A_198 = arith.muli %mul3A_197, %scan3A_186 : i32
        %add3A_199 = arith.constant 0 : i32
        %add3A_200 = arith.addi %mul3A_198, %add3A_199 : i32
        %swap3A = arith.index_cast %add3A_200 : i32 to index
        %swap3A_201 = arith.constant 0 : index
        %swap3A_202 = tpu.vector_load %arg12[%swap3A, %swap3A_201] {strides = array<i32>} : memref<128x64xf32, #tpu.memory_space<vmem>>, vector<1x16xf32>,
        %swap3A_203 = vector.shape_cast %swap3A_202 : vector<1x16xf32> to vector<16xf32>
        %swap3A_204 = vector.shape_cast %mul3A_196 : vector<16xf32> to vector<1x16xf32>
        tpu.vector_store %arg12[%swap3A, %swap3A_201], %swap3A_204 {strides = array<i32>} : memref<128x64xf32, #tpu.memory_space<vmem>>, vector<1x16xf32>,
        %mul3A_205 = arith.constant 2 : i32
        %mul3A_206 = arith.muli %mul3A_205, %scan3A_186 : i32
        %add3A_207 = arith.constant 0 : i32
        %add3A_208 = arith.addi %mul3A_206, %add3A_207 : i32
        %get3A_209 = arith.index_cast %add3A_208 : i32 to index
        %get3A_210 = arith.constant 16 : index
        %get3A_211 = tpu.vector_load %arg8[%get3A_209, %get3A_210] {strides = array<i32>} : memref<128x64xf32, #tpu.memory_space<vmem>>, vector<1x16xf32>,
        %get3A_212 = vector.shape_cast %get3A_211 : vector<1x16xf32> to vector<16xf32>
        %mul3A_213 = arith.constant 8.000000e+00 : f32
        %mul3A_214 = vector.broadcast %mul3A_213 : f32 to vector<16xf32>
        %mul3A_215 = arith.mulf %get3A_212, %mul3A_214 : vector<16xf32>
        %mul3A_216 = arith.constant 2 : i32
        %mul3A_217 = arith.muli %mul3A_216, %scan3A_186 : i32
        %add3A_218 = arith.constant 0 : i32
        %add3A_219 = arith.addi %mul3A_217, %add3A_218 : i32
        %swap3A_220 = arith.index_cast %add3A_219 : i32 to index
        %swap3A_221 = arith.constant 16 : index
        %swap3A_222 = tpu.vector_load %arg12[%swap3A_220, %swap3A_221] {strides = array<i32>} : memref<128x64xf32, #tpu.memory_space<vmem>>, vector<1x16xf32>,
        %swap3A_223 = vector.shape_cast %swap3A_222 : vector<1x16xf32> to vector<16xf32>
        %swap3A_224 = vector.shape_cast %mul3A_215 : vector<16xf32> to vector<1x16xf32>
        tpu.vector_store %arg12[%swap3A_220, %swap3A_221], %swap3A_224 {strides = array<i32>} : memref<128x64xf32, #tpu.memory_space<vmem>>, vector<1x16xf32>,
        %mul3A_225 = arith.constant 2 : i32
        %mul3A_226 = arith.muli %mul3A_225, %scan3A_186 : i32
        %add3A_227 = arith.constant 0 : i32
        %add3A_228 = arith.addi %mul3A_226, %add3A_227 : i32
        %get3A_229 = arith.index_cast %add3A_228 : i32 to index
        %get3A_230 = arith.constant 32 : index
        %get3A_231 = tpu.vector_load %arg8[%get3A_229, %get3A_230] {strides = array<i32>} : memref<128x64xf32, #tpu.memory_space<vmem>>, vector<1x16xf32>,
        %get3A_232 = vector.shape_cast %get3A_231 : vector<1x16xf32> to vector<16xf32>
        %mul3A_233 = arith.constant 8.000000e+00 : f32
        %mul3A_234 = vector.broadcast %mul3A_233 : f32 to vector<16xf32>
        %mul3A_235 = arith.mulf %get3A_232, %mul3A_234 : vector<16xf32>
        %mul3A_236 = arith.constant 2 : i32
        %mul3A_237 = arith.muli %mul3A_236, %scan3A_186 : i32
        %add3A_238 = arith.constant 0 : i32
        %add3A_239 = arith.addi %mul3A_237, %add3A_238 : i32
        %swap3A_240 = arith.index_cast %add3A_239 : i32 to index
        %swap3A_241 = arith.constant 32 : index
        %swap3A_242 = tpu.vector_load %arg12[%swap3A_240, %swap3A_241] {strides = array<i32>} : memref<128x64xf32, #tpu.memory_space<vmem>>, vector<1x16xf32>,
        %swap3A_243 = vector.shape_cast %swap3A_242 : vector<1x16xf32> to vector<16xf32>
        %swap3A_244 = vector.shape_cast %mul3A_235 : vector<16xf32> to vector<1x16xf32>
        tpu.vector_store %arg12[%swap3A_240, %swap3A_241], %swap3A_244 {strides = array<i32>} : memref<128x64xf32, #tpu.memory_space<vmem>>, vector<1x16xf32>,
        %mul3A_245 = arith.constant 2 : i32
        %mul3A_246 = arith.muli %mul3A_245, %scan3A_186 : i32
        %add3A_247 = arith.constant 0 : i32
        %add3A_248 = arith.addi %mul3A_246, %add3A_247 : i32
        %get3A_249 = arith.index_cast %add3A_248 : i32 to index
        %get3A_250 = arith.constant 48 : index
        %get3A_251 = tpu.vector_load %arg8[%get3A_249, %get3A_250] {strides = array<i32>} : memref<128x64xf32, #tpu.memory_space<vmem>>, vector<1x16xf32>,
        %get3A_252 = vector.shape_cast %get3A_251 : vector<1x16xf32> to vector<16xf32>
        %mul3A_253 = arith.constant 8.000000e+00 : f32
        %mul3A_254 = vector.broadcast %mul3A_253 : f32 to vector<16xf32>
        %mul3A_255 = arith.mulf %get3A_252, %mul3A_254 : vector<16xf32>
        %mul3A_256 = arith.constant 2 : i32
        %mul3A_257 = arith.muli %mul3A_256, %scan3A_186 : i32
        %add3A_258 = arith.constant 0 : i32
        %add3A_259 = arith.addi %mul3A_257, %add3A_258 : i32
        %swap3A_260 = arith.index_cast %add3A_259 : i32 to index
        %swap3A_261 = arith.constant 48 : index
        %swap3A_262 = tpu.vector_load %arg12[%swap3A_260, %swap3A_261] {strides = array<i32>} : memref<128x64xf32, #tpu.memory_space<vmem>>, vector<1x16xf32>,
        %swap3A_263 = vector.shape_cast %swap3A_262 : vector<1x16xf32> to vector<16xf32>
        %swap3A_264 = vector.shape_cast %mul3A_255 : vector<16xf32> to vector<1x16xf32>
        tpu.vector_store %arg12[%swap3A_260, %swap3A_261], %swap3A_264 {strides = array<i32>} : memref<128x64xf32, #tpu.memory_space<vmem>>, vector<1x16xf32>,
        %mul3A_265 = arith.constant 2 : i32
        %mul3A_266 = arith.muli %mul3A_265, %scan3A_186 : i32
        %add3A_267 = arith.constant 1 : i32
        %add3A_268 = arith.addi %mul3A_266, %add3A_267 : i32
        %get3A_269 = arith.index_cast %add3A_268 : i32 to index
        %get3A_270 = arith.constant 0 : index
        %get3A_271 = tpu.vector_load %arg8[%get3A_269, %get3A_270] {strides = array<i32>} : memref<128x64xf32, #tpu.memory_space<vmem>>, vector<1x16xf32>,
        %get3A_272 = vector.shape_cast %get3A_271 : vector<1x16xf32> to vector<16xf32>
        %mul3A_273 = arith.constant 8.000000e+00 : f32
        %mul3A_274 = vector.broadcast %mul3A_273 : f32 to vector<16xf32>
        %mul3A_275 = arith.mulf %get3A_272, %mul3A_274 : vector<16xf32>
        %mul3A_276 = arith.constant 2 : i32
        %mul3A_277 = arith.muli %mul3A_276, %scan3A_186 : i32
        %add3A_278 = arith.constant 1 : i32
        %add3A_279 = arith.addi %mul3A_277, %add3A_278 : i32
        %swap3A_280 = arith.index_cast %add3A_279 : i32 to index
        %swap3A_281 = arith.constant 0 : index
        %swap3A_282 = tpu.vector_load %arg12[%swap3A_280, %swap3A_281] {strides = array<i32>} : memref<128x64xf32, #tpu.memory_space<vmem>>, vector<1x16xf32>,
        %swap3A_283 = vector.shape_cast %swap3A_282 : vector<1x16xf32> to vector<16xf32>
        %swap3A_284 = vector.shape_cast %mul3A_275 : vector<16xf32> to vector<1x16xf32>
        tpu.vector_store %arg12[%swap3A_280, %swap3A_281], %swap3A_284 {strides = array<i32>} : memref<128x64xf32, #tpu.memory_space<vmem>>, vector<1x16xf32>,
        %mul3A_285 = arith.constant 2 : i32
        %mul3A_286 = arith.muli %mul3A_285, %scan3A_186 : i32
        %add3A_287 = arith.constant 1 : i32
        %add3A_288 = arith.addi %mul3A_286, %add3A_287 : i32
        %get3A_289 = arith.index_cast %add3A_288 : i32 to index
        %get3A_290 = arith.constant 16 : index
        %get3A_291 = tpu.vector_load %arg8[%get3A_289, %get3A_290] {strides = array<i32>} : memref<128x64xf32, #tpu.memory_space<vmem>>, vector<1x16xf32>,
        %get3A_292 = vector.shape_cast %get3A_291 : vector<1x16xf32> to vector<16xf32>
        %mul3A_293 = arith.constant 8.000000e+00 : f32
        %mul3A_294 = vector.broadcast %mul3A_293 : f32 to vector<16xf32>
        %mul3A_295 = arith.mulf %get3A_292, %mul3A_294 : vector<16xf32>
        %mul3A_296 = arith.constant 2 : i32
        %mul3A_297 = arith.muli %mul3A_296, %scan3A_186 : i32
        %add3A_298 = arith.constant 1 : i32
        %add3A_299 = arith.addi %mul3A_297, %add3A_298 : i32
        %swap3A_300 = arith.index_cast %add3A_299 : i32 to index
        %swap3A_301 = arith.constant 16 : index
        %swap3A_302 = tpu.vector_load %arg12[%swap3A_300, %swap3A_301] {strides = array<i32>} : memref<128x64xf32, #tpu.memory_space<vmem>>, vector<1x16xf32>,
        %swap3A_303 = vector.shape_cast %swap3A_302 : vector<1x16xf32> to vector<16xf32>
        %swap3A_304 = vector.shape_cast %mul3A_295 : vector<16xf32> to vector<1x16xf32>
        tpu.vector_store %arg12[%swap3A_300, %swap3A_301], %swap3A_304 {strides = array<i32>} : memref<128x64xf32, #tpu.memory_space<vmem>>, vector<1x16xf32>,
        %mul3A_305 = arith.constant 2 : i32
        %mul3A_306 = arith.muli %mul3A_305, %scan3A_186 : i32
        %add3A_307 = arith.constant 1 : i32
        %add3A_308 = arith.addi %mul3A_306, %add3A_307 : i32
        %get3A_309 = arith.index_cast %add3A_308 : i32 to index
        %get3A_310 = arith.constant 32 : index
        %get3A_311 = tpu.vector_load %arg8[%get3A_309, %get3A_310] {strides = array<i32>} : memref<128x64xf32, #tpu.memory_space<vmem>>, vector<1x16xf32>,
        %get3A_312 = vector.shape_cast %get3A_311 : vector<1x16xf32> to vector<16xf32>
        %mul3A_313 = arith.constant 8.000000e+00 : f32
        %mul3A_314 = vector.broadcast %mul3A_313 : f32 to vector<16xf32>
        %mul3A_315 = arith.mulf %get3A_312, %mul3A_314 : vector<16xf32>
        %mul3A_316 = arith.constant 2 : i32
        %mul3A_317 = arith.muli %mul3A_316, %scan3A_186 : i32
        %add3A_318 = arith.constant 1 : i32
        %add3A_319 = arith.addi %mul3A_317, %add3A_318 : i32
        %swap3A_320 = arith.index_cast %add3A_319 : i32 to index
        %swap3A_321 = arith.constant 32 : index
        %swap3A_322 = tpu.vector_load %arg12[%swap3A_320, %swap3A_321] {strides = array<i32>} : memref<128x64xf32, #tpu.memory_space<vmem>>, vector<1x16xf32>,
        %swap3A_323 = vector.shape_cast %swap3A_322 : vector<1x16xf32> to vector<16xf32>
        %swap3A_324 = vector.shape_cast %mul3A_315 : vector<16xf32> to vector<1x16xf32>
        tpu.vector_store %arg12[%swap3A_320, %swap3A_321], %swap3A_324 {strides = array<i32>} : memref<128x64xf32, #tpu.memory_space<vmem>>, vector<1x16xf32>,
        %mul3A_325 = arith.constant 2 : i32
        %mul3A_326 = arith.muli %mul3A_325, %scan3A_186 : i32
        %add3A_327 = arith.constant 1 : i32
        %add3A_328 = arith.addi %mul3A_326, %add3A_327 : i32
        %get3A_329 = arith.index_cast %add3A_328 : i32 to index
        %get3A_330 = arith.constant 48 : index
        %get3A_331 = tpu.vector_load %arg8[%get3A_329, %get3A_330] {strides = array<i32>} : memref<128x64xf32, #tpu.memory_space<vmem>>, vector<1x16xf32>,
        %get3A_332 = vector.shape_cast %get3A_331 : vector<1x16xf32> to vector<16xf32>
        %mul3A_333 = arith.constant 8.000000e+00 : f32
        %mul3A_334 = vector.broadcast %mul3A_333 : f32 to vector<16xf32>
        %mul3A_335 = arith.mulf %get3A_332, %mul3A_334 : vector<16xf32>
        %mul3A_336 = arith.constant 2 : i32
        %mul3A_337 = arith.muli %mul3A_336, %scan3A_186 : i32
        %add3A_338 = arith.constant 1 : i32
        %add3A_339 = arith.addi %mul3A_337, %add3A_338 : i32
        %swap3A_340 = arith.index_cast %add3A_339 : i32 to index
        %swap3A_341 = arith.constant 48 : index
        %swap3A_342 = tpu.vector_load %arg12[%swap3A_340, %swap3A_341] {strides = array<i32>} : memref<128x64xf32, #tpu.memory_space<vmem>>, vector<1x16xf32>,
        %swap3A_343 = vector.shape_cast %swap3A_342 : vector<1x16xf32> to vector<16xf32>
        %swap3A_344 = vector.shape_cast %mul3A_335 : vector<16xf32> to vector<1x16xf32>
        tpu.vector_store %arg12[%swap3A_340, %swap3A_341], %swap3A_344 {strides = array<i32>} : memref<128x64xf32, #tpu.memory_space<vmem>>, vector<1x16xf32>,
      }
      %scan3A_153 = arith.constant 64 : i32
      %add3A_154 = arith.constant 4 : i32
      %add3A_155 = arith.addi %add3A_141, %add3A_154 : i32
      %dma_start3A_156 = arith.constant 0 : i32
      %dma_start3A_157 = tpu.memref_slice %arg5[%add3A_155, %dma_start3A_156] : memref<200x128xi32, #tpu.memory_space<vmem>> -> memref<1x128xi32, #tpu.memory_space<vmem>>
      %dma_start3A_158 = tpu.memref_squeeze %dma_start3A_157 : memref<1x128xi32, #tpu.memory_space<vmem>> -> memref<128xi32, #tpu.memory_space<vmem>>
      %dma_start3A_159 = arith.constant 0 : i32
      %dma_start3A_160 = arith.constant 0 : i32
      %dma_start3A_161 = tpu.memref_slice %arg3[%dma_start3A_159, %dma_start3A_160] : memref<1000000x64xf32, #tpu.memory_space<hbm>> -> memref<1000000x64xf32, #tpu.memory_space<hbm>>
      tpu.enqueue_indirect_dma source(%dma_start3A_161 : memref<1000000x64xf32, #tpu.memory_space<hbm>>) target(%arg8 : memref<128x64xf32, #tpu.memory_space<vmem>>) offsets(%dma_start3A_158 : memref<128xi32, #tpu.memory_space<vmem>>) semaphore(%arg16 : memref<!tpu.dma_semaphore, #tpu.memory_space<semaphore_mem>>)
      "tpu.region"() ({
        %run_scoped3A_186 = tpu.sem_alloc : memref<!tpu.dma_semaphore, #tpu.memory_space<semaphore_mem>>
        %dma_start3A_187 = arith.constant 0 : i32
        %dma_start3A_188 = tpu.memref_slice %arg4[%add3A_141, %mul3A_2, %dma_start3A_187] : memref<200x4096x64xf32, #tpu.memory_space<hbm>> -> memref<1x128x64xf32, #tpu.memory_space<hbm>>
        %dma_start3A_189 = tpu.memref_squeeze %dma_start3A_188 : memref<1x128x64xf32, #tpu.memory_space<hbm>> -> memref<128x64xf32, #tpu.memory_space<hbm>>
        %dma_start3A_190 = arith.constant 0 : i32
        %dma_start3A_191 = tpu.memref_slice %arg4[%add3A_141, %mul3A_2, %dma_start3A_190] : memref<200x4096x64xf32, #tpu.memory_space<hbm>> -> memref<1x128x64xf32, #tpu.memory_space<hbm>>
        %dma_start3A_192 = tpu.memref_squeeze %dma_start3A_191 : memref<1x128x64xf32, #tpu.memory_space<hbm>> -> memref<128x64xf32, #tpu.memory_space<hbm>>
        tpu.enqueue_dma source(%arg12 : memref<128x64xf32, #tpu.memory_space<vmem>>) target(%dma_start3A_192 : memref<128x64xf32, #tpu.memory_space<hbm>>) target_semaphore(%run_scoped3A_186 : memref<!tpu.dma_semaphore, #tpu.memory_space<semaphore_mem>>)
        %dma_wait3A_193 = arith.constant 0 : i32
        %dma_wait3A_194 = tpu.memref_slice %arg4[%add3A_141, %mul3A_2, %dma_wait3A_193] : memref<200x4096x64xf32, #tpu.memory_space<hbm>> -> memref<1x128x64xf32, #tpu.memory_space<hbm>>
        %dma_wait3A_195 = tpu.memref_squeeze %dma_wait3A_194 : memref<1x128x64xf32, #tpu.memory_space<hbm>> -> memref<128x64xf32, #tpu.memory_space<hbm>>
        %dma_wait3A_196 = arith.constant 0 : i32
        %dma_wait3A_197 = tpu.memref_slice %arg4[%add3A_141, %mul3A_2, %dma_wait3A_196] : memref<200x4096x64xf32, #tpu.memory_space<hbm>> -> memref<1x128x64xf32, #tpu.memory_space<hbm>>
        %dma_wait3A_198 = tpu.memref_squeeze %dma_wait3A_197 : memref<1x128x64xf32, #tpu.memory_space<hbm>> -> memref<128x64xf32, #tpu.memory_space<hbm>>
        tpu.wait_dma2 semaphore(%run_scoped3A_186 : memref<!tpu.dma_semaphore, #tpu.memory_space<semaphore_mem>>) src(%arg12 : memref<128x64xf32, #tpu.memory_space<vmem>>) dst(%dma_wait3A_198 : memref<128x64xf32, #tpu.memory_space<hbm>>)
        tpu.yield
      }) : () -> ()
      %mul3A_162 = arith.constant 4 : i32
      %mul3A_163 = arith.muli %scan3A_89, %mul3A_162 : i32
      %add3A_164 = arith.constant 3 : i32
      %add3A_165 = arith.addi %mul3A_163, %add3A_164 : i32
      %dma_wait3A_166 = arith.constant 0 : i32
      %dma_wait3A_167 = tpu.memref_slice %arg5[%add3A_165, %dma_wait3A_166] : memref<200x128xi32, #tpu.memory_space<vmem>> -> memref<1x128xi32, #tpu.memory_space<vmem>>
      %dma_wait3A_168 = tpu.memref_squeeze %dma_wait3A_167 : memref<1x128xi32, #tpu.memory_space<vmem>> -> memref<128xi32, #tpu.memory_space<vmem>>
      %dma_wait3A_169 = arith.constant 0 : i32
      %dma_wait3A_170 = arith.constant 0 : i32
      %dma_wait3A_171 = tpu.memref_slice %arg3[%dma_wait3A_169, %dma_wait3A_170] : memref<1000000x64xf32, #tpu.memory_space<hbm>> -> memref<1000000x64xf32, #tpu.memory_space<hbm>>
      tpu.wait_indirect_dma semaphore(%arg17 : memref<!tpu.dma_semaphore, #tpu.memory_space<semaphore_mem>>) src(%dma_wait3A_171 : memref<1000000x64xf32, #tpu.memory_space<hbm>>) dst(%arg9 : memref<128x64xf32, #tpu.memory_space<vmem>>)
      %scan3A_172 = arith.constant 0 : i32
      %scan3A_173 = arith.constant 0 : i32
      %scan3A_174 = arith.constant 64 : i32
      %scan3A_175 = arith.addi %scan3A_173, %scan3A_174 : i32
      %scan3A_176 = arith.constant 1 : i32
      scf.for %scan3A_186 = %scan3A_173 to %scan3A_175 step %scan3A_176  : i32 {
        %mul3A_187 = arith.constant 2 : i32
        %mul3A_188 = arith.muli %mul3A_187, %scan3A_186 : i32
        %add3A_189 = arith.constant 0 : i32
        %add3A_190 = arith.addi %mul3A_188, %add3A_189 : i32
        %get3A = arith.index_cast %add3A_190 : i32 to index
        %get3A_191 = arith.constant 0 : index
        %get3A_192 = tpu.vector_load %arg9[%get3A, %get3A_191] {strides = array<i32>} : memref<128x64xf32, #tpu.memory_space<vmem>>, vector<1x16xf32>,
        %get3A_193 = vector.shape_cast %get3A_192 : vector<1x16xf32> to vector<16xf32>
        %mul3A_194 = arith.constant 8.000000e+00 : f32
        %mul3A_195 = vector.broadcast %mul3A_194 : f32 to vector<16xf32>
        %mul3A_196 = arith.mulf %get3A_193, %mul3A_195 : vector<16xf32>
        %mul3A_197 = arith.constant 2 : i32
        %mul3A_198 = arith.muli %mul3A_197, %scan3A_186 : i32
        %add3A_199 = arith.constant 0 : i32
        %add3A_200 = arith.addi %mul3A_198, %add3A_199 : i32
        %swap3A = arith.index_cast %add3A_200 : i32 to index
        %swap3A_201 = arith.constant 0 : index
        %swap3A_202 = tpu.vector_load %arg13[%swap3A, %swap3A_201] {strides = array<i32>} : memref<128x64xf32, #tpu.memory_space<vmem>>, vector<1x16xf32>,
        %swap3A_203 = vector.shape_cast %swap3A_202 : vector<1x16xf32> to vector<16xf32>
        %swap3A_204 = vector.shape_cast %mul3A_196 : vector<16xf32> to vector<1x16xf32>
        tpu.vector_store %arg13[%swap3A, %swap3A_201], %swap3A_204 {strides = array<i32>} : memref<128x64xf32, #tpu.memory_space<vmem>>, vector<1x16xf32>,
        %mul3A_205 = arith.constant 2 : i32
        %mul3A_206 = arith.muli %mul3A_205, %scan3A_186 : i32
        %add3A_207 = arith.constant 0 : i32
        %add3A_208 = arith.addi %mul3A_206, %add3A_207 : i32
        %get3A_209 = arith.index_cast %add3A_208 : i32 to index
        %get3A_210 = arith.constant 16 : index
        %get3A_211 = tpu.vector_load %arg9[%get3A_209, %get3A_210] {strides = array<i32>} : memref<128x64xf32, #tpu.memory_space<vmem>>, vector<1x16xf32>,
        %get3A_212 = vector.shape_cast %get3A_211 : vector<1x16xf32> to vector<16xf32>
        %mul3A_213 = arith.constant 8.000000e+00 : f32
        %mul3A_214 = vector.broadcast %mul3A_213 : f32 to vector<16xf32>
        %mul3A_215 = arith.mulf %get3A_212, %mul3A_214 : vector<16xf32>
        %mul3A_216 = arith.constant 2 : i32
        %mul3A_217 = arith.muli %mul3A_216, %scan3A_186 : i32
        %add3A_218 = arith.constant 0 : i32
        %add3A_219 = arith.addi %mul3A_217, %add3A_218 : i32
        %swap3A_220 = arith.index_cast %add3A_219 : i32 to index
        %swap3A_221 = arith.constant 16 : index
        %swap3A_222 = tpu.vector_load %arg13[%swap3A_220, %swap3A_221] {strides = array<i32>} : memref<128x64xf32, #tpu.memory_space<vmem>>, vector<1x16xf32>,
        %swap3A_223 = vector.shape_cast %swap3A_222 : vector<1x16xf32> to vector<16xf32>
        %swap3A_224 = vector.shape_cast %mul3A_215 : vector<16xf32> to vector<1x16xf32>
        tpu.vector_store %arg13[%swap3A_220, %swap3A_221], %swap3A_224 {strides = array<i32>} : memref<128x64xf32, #tpu.memory_space<vmem>>, vector<1x16xf32>,
        %mul3A_225 = arith.constant 2 : i32
        %mul3A_226 = arith.muli %mul3A_225, %scan3A_186 : i32
        %add3A_227 = arith.constant 0 : i32
        %add3A_228 = arith.addi %mul3A_226, %add3A_227 : i32
        %get3A_229 = arith.index_cast %add3A_228 : i32 to index
        %get3A_230 = arith.constant 32 : index
        %get3A_231 = tpu.vector_load %arg9[%get3A_229, %get3A_230] {strides = array<i32>} : memref<128x64xf32, #tpu.memory_space<vmem>>, vector<1x16xf32>,
        %get3A_232 = vector.shape_cast %get3A_231 : vector<1x16xf32> to vector<16xf32>
        %mul3A_233 = arith.constant 8.000000e+00 : f32
        %mul3A_234 = vector.broadcast %mul3A_233 : f32 to vector<16xf32>
        %mul3A_235 = arith.mulf %get3A_232, %mul3A_234 : vector<16xf32>
        %mul3A_236 = arith.constant 2 : i32
        %mul3A_237 = arith.muli %mul3A_236, %scan3A_186 : i32
        %add3A_238 = arith.constant 0 : i32
        %add3A_239 = arith.addi %mul3A_237, %add3A_238 : i32
        %swap3A_240 = arith.index_cast %add3A_239 : i32 to index
        %swap3A_241 = arith.constant 32 : index
        %swap3A_242 = tpu.vector_load %arg13[%swap3A_240, %swap3A_241] {strides = array<i32>} : memref<128x64xf32, #tpu.memory_space<vmem>>, vector<1x16xf32>,
        %swap3A_243 = vector.shape_cast %swap3A_242 : vector<1x16xf32> to vector<16xf32>
        %swap3A_244 = vector.shape_cast %mul3A_235 : vector<16xf32> to vector<1x16xf32>
        tpu.vector_store %arg13[%swap3A_240, %swap3A_241], %swap3A_244 {strides = array<i32>} : memref<128x64xf32, #tpu.memory_space<vmem>>, vector<1x16xf32>,
        %mul3A_245 = arith.constant 2 : i32
        %mul3A_246 = arith.muli %mul3A_245, %scan3A_186 : i32
        %add3A_247 = arith.constant 0 : i32
        %add3A_248 = arith.addi %mul3A_246, %add3A_247 : i32
        %get3A_249 = arith.index_cast %add3A_248 : i32 to index
        %get3A_250 = arith.constant 48 : index
        %get3A_251 = tpu.vector_load %arg9[%get3A_249, %get3A_250] {strides = array<i32>} : memref<128x64xf32, #tpu.memory_space<vmem>>, vector<1x16xf32>,
        %get3A_252 = vector.shape_cast %get3A_251 : vector<1x16xf32> to vector<16xf32>
        %mul3A_253 = arith.constant 8.000000e+00 : f32
        %mul3A_254 = vector.broadcast %mul3A_253 : f32 to vector<16xf32>
        %mul3A_255 = arith.mulf %get3A_252, %mul3A_254 : vector<16xf32>
        %mul3A_256 = arith.constant 2 : i32
        %mul3A_257 = arith.muli %mul3A_256, %scan3A_186 : i32
        %add3A_258 = arith.constant 0 : i32
        %add3A_259 = arith.addi %mul3A_257, %add3A_258 : i32
        %swap3A_260 = arith.index_cast %add3A_259 : i32 to index
        %swap3A_261 = arith.constant 48 : index
        %swap3A_262 = tpu.vector_load %arg13[%swap3A_260, %swap3A_261] {strides = array<i32>} : memref<128x64xf32, #tpu.memory_space<vmem>>, vector<1x16xf32>,
        %swap3A_263 = vector.shape_cast %swap3A_262 : vector<1x16xf32> to vector<16xf32>
        %swap3A_264 = vector.shape_cast %mul3A_255 : vector<16xf32> to vector<1x16xf32>
        tpu.vector_store %arg13[%swap3A_260, %swap3A_261], %swap3A_264 {strides = array<i32>} : memref<128x64xf32, #tpu.memory_space<vmem>>, vector<1x16xf32>,
        %mul3A_265 = arith.constant 2 : i32
        %mul3A_266 = arith.muli %mul3A_265, %scan3A_186 : i32
        %add3A_267 = arith.constant 1 : i32
        %add3A_268 = arith.addi %mul3A_266, %add3A_267 : i32
        %get3A_269 = arith.index_cast %add3A_268 : i32 to index
        %get3A_270 = arith.constant 0 : index
        %get3A_271 = tpu.vector_load %arg9[%get3A_269, %get3A_270] {strides = array<i32>} : memref<128x64xf32, #tpu.memory_space<vmem>>, vector<1x16xf32>,
        %get3A_272 = vector.shape_cast %get3A_271 : vector<1x16xf32> to vector<16xf32>
        %mul3A_273 = arith.constant 8.000000e+00 : f32
        %mul3A_274 = vector.broadcast %mul3A_273 : f32 to vector<16xf32>
        %mul3A_275 = arith.mulf %get3A_272, %mul3A_274 : vector<16xf32>
        %mul3A_276 = arith.constant 2 : i32
        %mul3A_277 = arith.muli %mul3A_276, %scan3A_186 : i32
        %add3A_278 = arith.constant 1 : i32
        %add3A_279 = arith.addi %mul3A_277, %add3A_278 : i32
        %swap3A_280 = arith.index_cast %add3A_279 : i32 to index
        %swap3A_281 = arith.constant 0 : index
        %swap3A_282 = tpu.vector_load %arg13[%swap3A_280, %swap3A_281] {strides = array<i32>} : memref<128x64xf32, #tpu.memory_space<vmem>>, vector<1x16xf32>,
        %swap3A_283 = vector.shape_cast %swap3A_282 : vector<1x16xf32> to vector<16xf32>
        %swap3A_284 = vector.shape_cast %mul3A_275 : vector<16xf32> to vector<1x16xf32>
        tpu.vector_store %arg13[%swap3A_280, %swap3A_281], %swap3A_284 {strides = array<i32>} : memref<128x64xf32, #tpu.memory_space<vmem>>, vector<1x16xf32>,
        %mul3A_285 = arith.constant 2 : i32
        %mul3A_286 = arith.muli %mul3A_285, %scan3A_186 : i32
        %add3A_287 = arith.constant 1 : i32
        %add3A_288 = arith.addi %mul3A_286, %add3A_287 : i32
        %get3A_289 = arith.index_cast %add3A_288 : i32 to index
        %get3A_290 = arith.constant 16 : index
        %get3A_291 = tpu.vector_load %arg9[%get3A_289, %get3A_290] {strides = array<i32>} : memref<128x64xf32, #tpu.memory_space<vmem>>, vector<1x16xf32>,
        %get3A_292 = vector.shape_cast %get3A_291 : vector<1x16xf32> to vector<16xf32>
        %mul3A_293 = arith.constant 8.000000e+00 : f32
        %mul3A_294 = vector.broadcast %mul3A_293 : f32 to vector<16xf32>
        %mul3A_295 = arith.mulf %get3A_292, %mul3A_294 : vector<16xf32>
        %mul3A_296 = arith.constant 2 : i32
        %mul3A_297 = arith.muli %mul3A_296, %scan3A_186 : i32
        %add3A_298 = arith.constant 1 : i32
        %add3A_299 = arith.addi %mul3A_297, %add3A_298 : i32
        %swap3A_300 = arith.index_cast %add3A_299 : i32 to index
        %swap3A_301 = arith.constant 16 : index
        %swap3A_302 = tpu.vector_load %arg13[%swap3A_300, %swap3A_301] {strides = array<i32>} : memref<128x64xf32, #tpu.memory_space<vmem>>, vector<1x16xf32>,
        %swap3A_303 = vector.shape_cast %swap3A_302 : vector<1x16xf32> to vector<16xf32>
        %swap3A_304 = vector.shape_cast %mul3A_295 : vector<16xf32> to vector<1x16xf32>
        tpu.vector_store %arg13[%swap3A_300, %swap3A_301], %swap3A_304 {strides = array<i32>} : memref<128x64xf32, #tpu.memory_space<vmem>>, vector<1x16xf32>,
        %mul3A_305 = arith.constant 2 : i32
        %mul3A_306 = arith.muli %mul3A_305, %scan3A_186 : i32
        %add3A_307 = arith.constant 1 : i32
        %add3A_308 = arith.addi %mul3A_306, %add3A_307 : i32
        %get3A_309 = arith.index_cast %add3A_308 : i32 to index
        %get3A_310 = arith.constant 32 : index
        %get3A_311 = tpu.vector_load %arg9[%get3A_309, %get3A_310] {strides = array<i32>} : memref<128x64xf32, #tpu.memory_space<vmem>>, vector<1x16xf32>,
        %get3A_312 = vector.shape_cast %get3A_311 : vector<1x16xf32> to vector<16xf32>
        %mul3A_313 = arith.constant 8.000000e+00 : f32
        %mul3A_314 = vector.broadcast %mul3A_313 : f32 to vector<16xf32>
        %mul3A_315 = arith.mulf %get3A_312, %mul3A_314 : vector<16xf32>
        %mul3A_316 = arith.constant 2 : i32
        %mul3A_317 = arith.muli %mul3A_316, %scan3A_186 : i32
        %add3A_318 = arith.constant 1 : i32
        %add3A_319 = arith.addi %mul3A_317, %add3A_318 : i32
        %swap3A_320 = arith.index_cast %add3A_319 : i32 to index
        %swap3A_321 = arith.constant 32 : index
        %swap3A_322 = tpu.vector_load %arg13[%swap3A_320, %swap3A_321] {strides = array<i32>} : memref<128x64xf32, #tpu.memory_space<vmem>>, vector<1x16xf32>,
        %swap3A_323 = vector.shape_cast %swap3A_322 : vector<1x16xf32> to vector<16xf32>
        %swap3A_324 = vector.shape_cast %mul3A_315 : vector<16xf32> to vector<1x16xf32>
        tpu.vector_store %arg13[%swap3A_320, %swap3A_321], %swap3A_324 {strides = array<i32>} : memref<128x64xf32, #tpu.memory_space<vmem>>, vector<1x16xf32>,
        %mul3A_325 = arith.constant 2 : i32
        %mul3A_326 = arith.muli %mul3A_325, %scan3A_186 : i32
        %add3A_327 = arith.constant 1 : i32
        %add3A_328 = arith.addi %mul3A_326, %add3A_327 : i32
        %get3A_329 = arith.index_cast %add3A_328 : i32 to index
        %get3A_330 = arith.constant 48 : index
        %get3A_331 = tpu.vector_load %arg9[%get3A_329, %get3A_330] {strides = array<i32>} : memref<128x64xf32, #tpu.memory_space<vmem>>, vector<1x16xf32>,
        %get3A_332 = vector.shape_cast %get3A_331 : vector<1x16xf32> to vector<16xf32>
        %mul3A_333 = arith.constant 8.000000e+00 : f32
        %mul3A_334 = vector.broadcast %mul3A_333 : f32 to vector<16xf32>
        %mul3A_335 = arith.mulf %get3A_332, %mul3A_334 : vector<16xf32>
        %mul3A_336 = arith.constant 2 : i32
        %mul3A_337 = arith.muli %mul3A_336, %scan3A_186 : i32
        %add3A_338 = arith.constant 1 : i32
        %add3A_339 = arith.addi %mul3A_337, %add3A_338 : i32
        %swap3A_340 = arith.index_cast %add3A_339 : i32 to index
        %swap3A_341 = arith.constant 48 : index
        %swap3A_342 = tpu.vector_load %arg13[%swap3A_340, %swap3A_341] {strides = array<i32>} : memref<128x64xf32, #tpu.memory_space<vmem>>, vector<1x16xf32>,
        %swap3A_343 = vector.shape_cast %swap3A_342 : vector<1x16xf32> to vector<16xf32>
        %swap3A_344 = vector.shape_cast %mul3A_335 : vector<16xf32> to vector<1x16xf32>
        tpu.vector_store %arg13[%swap3A_340, %swap3A_341], %swap3A_344 {strides = array<i32>} : memref<128x64xf32, #tpu.memory_space<vmem>>, vector<1x16xf32>,
      }
      %scan3A_177 = arith.constant 64 : i32
      %add3A_178 = arith.constant 4 : i32
      %add3A_179 = arith.addi %add3A_165, %add3A_178 : i32
      %dma_start3A_180 = arith.constant 0 : i32
      %dma_start3A_181 = tpu.memref_slice %arg5[%add3A_179, %dma_start3A_180] : memref<200x128xi32, #tpu.memory_space<vmem>> -> memref<1x128xi32, #tpu.memory_space<vmem>>
      %dma_start3A_182 = tpu.memref_squeeze %dma_start3A_181 : memref<1x128xi32, #tpu.memory_space<vmem>> -> memref<128xi32, #tpu.memory_space<vmem>>
      %dma_start3A_183 = arith.constant 0 : i32
      %dma_start3A_184 = arith.constant 0 : i32
      %dma_start3A_185 = tpu.memref_slice %arg3[%dma_start3A_183, %dma_start3A_184] : memref<1000000x64xf32, #tpu.memory_space<hbm>> -> memref<1000000x64xf32, #tpu.memory_space<hbm>>
      tpu.enqueue_indirect_dma source(%dma_start3A_185 : memref<1000000x64xf32, #tpu.memory_space<hbm>>) target(%arg9 : memref<128x64xf32, #tpu.memory_space<vmem>>) offsets(%dma_start3A_182 : memref<128xi32, #tpu.memory_space<vmem>>) semaphore(%arg17 : memref<!tpu.dma_semaphore, #tpu.memory_space<semaphore_mem>>)
      "tpu.region"() ({
        %run_scoped3A_186 = tpu.sem_alloc : memref<!tpu.dma_semaphore, #tpu.memory_space<semaphore_mem>>
        %dma_start3A_187 = arith.constant 0 : i32
        %dma_start3A_188 = tpu.memref_slice %arg4[%add3A_165, %mul3A_2, %dma_start3A_187] : memref<200x4096x64xf32, #tpu.memory_space<hbm>> -> memref<1x128x64xf32, #tpu.memory_space<hbm>>
        %dma_start3A_189 = tpu.memref_squeeze %dma_start3A_188 : memref<1x128x64xf32, #tpu.memory_space<hbm>> -> memref<128x64xf32, #tpu.memory_space<hbm>>
        %dma_start3A_190 = arith.constant 0 : i32
        %dma_start3A_191 = tpu.memref_slice %arg4[%add3A_165, %mul3A_2, %dma_start3A_190] : memref<200x4096x64xf32, #tpu.memory_space<hbm>> -> memref<1x128x64xf32, #tpu.memory_space<hbm>>
        %dma_start3A_192 = tpu.memref_squeeze %dma_start3A_191 : memref<1x128x64xf32, #tpu.memory_space<hbm>> -> memref<128x64xf32, #tpu.memory_space<hbm>>
        tpu.enqueue_dma source(%arg13 : memref<128x64xf32, #tpu.memory_space<vmem>>) target(%dma_start3A_192 : memref<128x64xf32, #tpu.memory_space<hbm>>) target_semaphore(%run_scoped3A_186 : memref<!tpu.dma_semaphore, #tpu.memory_space<semaphore_mem>>)
        %dma_wait3A_193 = arith.constant 0 : i32
        %dma_wait3A_194 = tpu.memref_slice %arg4[%add3A_165, %mul3A_2, %dma_wait3A_193] : memref<200x4096x64xf32, #tpu.memory_space<hbm>> -> memref<1x128x64xf32, #tpu.memory_space<hbm>>
        %dma_wait3A_195 = tpu.memref_squeeze %dma_wait3A_194 : memref<1x128x64xf32, #tpu.memory_space<hbm>> -> memref<128x64xf32, #tpu.memory_space<hbm>>
        %dma_wait3A_196 = arith.constant 0 : i32
        %dma_wait3A_197 = tpu.memref_slice %arg4[%add3A_165, %mul3A_2, %dma_wait3A_196] : memref<200x4096x64xf32, #tpu.memory_space<hbm>> -> memref<1x128x64xf32, #tpu.memory_space<hbm>>
        %dma_wait3A_198 = tpu.memref_squeeze %dma_wait3A_197 : memref<1x128x64xf32, #tpu.memory_space<hbm>> -> memref<128x64xf32, #tpu.memory_space<hbm>>
        tpu.wait_dma2 semaphore(%run_scoped3A_186 : memref<!tpu.dma_semaphore, #tpu.memory_space<semaphore_mem>>) src(%arg13 : memref<128x64xf32, #tpu.memory_space<vmem>>) dst(%dma_wait3A_198 : memref<128x64xf32, #tpu.memory_space<hbm>>)
        tpu.yield
      }) : () -> ()
    }
    %scan3A_34 = arith.constant 49 : i32
    %dma_wait3A = arith.constant 196 : i32
    %dma_wait3A_35 = arith.constant 0 : i32
    %dma_wait3A_36 = tpu.memref_slice %arg5[%dma_wait3A, %dma_wait3A_35] : memref<200x128xi32, #tpu.memory_space<vmem>> -> memref<1x128xi32, #tpu.memory_space<vmem>>
    %dma_wait3A_37 = tpu.memref_squeeze %dma_wait3A_36 : memref<1x128xi32, #tpu.memory_space<vmem>> -> memref<128xi32, #tpu.memory_space<vmem>>
    %dma_wait3A_38 = arith.constant 0 : i32
    %dma_wait3A_39 = arith.constant 0 : i32
    %dma_wait3A_40 = tpu.memref_slice %arg3[%dma_wait3A_38, %dma_wait3A_39] : memref<1000000x64xf32, #tpu.memory_space<hbm>> -> memref<1000000x64xf32, #tpu.memory_space<hbm>>
    tpu.wait_indirect_dma semaphore(%arg14 : memref<!tpu.dma_semaphore, #tpu.memory_space<semaphore_mem>>) src(%dma_wait3A_40 : memref<1000000x64xf32, #tpu.memory_space<hbm>>) dst(%arg6 : memref<128x64xf32, #tpu.memory_space<vmem>>)
    %scan3A_41 = arith.constant 0 : i32
    %scan3A_42 = arith.constant 0 : i32
    %scan3A_43 = arith.constant 64 : i32
    %scan3A_44 = arith.addi %scan3A_42, %scan3A_43 : i32
    %scan3A_45 = arith.constant 1 : i32
    scf.for %scan3A_89 = %scan3A_42 to %scan3A_44 step %scan3A_45  : i32 {
      %mul3A_90 = arith.constant 2 : i32
      %mul3A_91 = arith.muli %mul3A_90, %scan3A_89 : i32
      %add3A_92 = arith.constant 0 : i32
      %add3A_93 = arith.addi %mul3A_91, %add3A_92 : i32
      %get3A = arith.index_cast %add3A_93 : i32 to index
      %get3A_94 = arith.constant 0 : index
      %get3A_95 = tpu.vector_load %arg6[%get3A, %get3A_94] {strides = array<i32>} : memref<128x64xf32, #tpu.memory_space<vmem>>, vector<1x16xf32>,
      %get3A_96 = vector.shape_cast %get3A_95 : vector<1x16xf32> to vector<16xf32>
      %mul3A_97 = arith.constant 8.000000e+00 : f32
      %mul3A_98 = vector.broadcast %mul3A_97 : f32 to vector<16xf32>
      %mul3A_99 = arith.mulf %get3A_96, %mul3A_98 : vector<16xf32>
      %mul3A_100 = arith.constant 2 : i32
      %mul3A_101 = arith.muli %mul3A_100, %scan3A_89 : i32
      %add3A_102 = arith.constant 0 : i32
      %add3A_103 = arith.addi %mul3A_101, %add3A_102 : i32
      %swap3A = arith.index_cast %add3A_103 : i32 to index
      %swap3A_104 = arith.constant 0 : index
      %swap3A_105 = tpu.vector_load %arg10[%swap3A, %swap3A_104] {strides = array<i32>} : memref<128x64xf32, #tpu.memory_space<vmem>>, vector<1x16xf32>,
      %swap3A_106 = vector.shape_cast %swap3A_105 : vector<1x16xf32> to vector<16xf32>
      %swap3A_107 = vector.shape_cast %mul3A_99 : vector<16xf32> to vector<1x16xf32>
      tpu.vector_store %arg10[%swap3A, %swap3A_104], %swap3A_107 {strides = array<i32>} : memref<128x64xf32, #tpu.memory_space<vmem>>, vector<1x16xf32>,
      %mul3A_108 = arith.constant 2 : i32
      %mul3A_109 = arith.muli %mul3A_108, %scan3A_89 : i32
      %add3A_110 = arith.constant 0 : i32
      %add3A_111 = arith.addi %mul3A_109, %add3A_110 : i32
      %get3A_112 = arith.index_cast %add3A_111 : i32 to index
      %get3A_113 = arith.constant 16 : index
      %get3A_114 = tpu.vector_load %arg6[%get3A_112, %get3A_113] {strides = array<i32>} : memref<128x64xf32, #tpu.memory_space<vmem>>, vector<1x16xf32>,
      %get3A_115 = vector.shape_cast %get3A_114 : vector<1x16xf32> to vector<16xf32>
      %mul3A_116 = arith.constant 8.000000e+00 : f32
      %mul3A_117 = vector.broadcast %mul3A_116 : f32 to vector<16xf32>
      %mul3A_118 = arith.mulf %get3A_115, %mul3A_117 : vector<16xf32>
      %mul3A_119 = arith.constant 2 : i32
      %mul3A_120 = arith.muli %mul3A_119, %scan3A_89 : i32
      %add3A_121 = arith.constant 0 : i32
      %add3A_122 = arith.addi %mul3A_120, %add3A_121 : i32
      %swap3A_123 = arith.index_cast %add3A_122 : i32 to index
      %swap3A_124 = arith.constant 16 : index
      %swap3A_125 = tpu.vector_load %arg10[%swap3A_123, %swap3A_124] {strides = array<i32>} : memref<128x64xf32, #tpu.memory_space<vmem>>, vector<1x16xf32>,
      %swap3A_126 = vector.shape_cast %swap3A_125 : vector<1x16xf32> to vector<16xf32>
      %swap3A_127 = vector.shape_cast %mul3A_118 : vector<16xf32> to vector<1x16xf32>
      tpu.vector_store %arg10[%swap3A_123, %swap3A_124], %swap3A_127 {strides = array<i32>} : memref<128x64xf32, #tpu.memory_space<vmem>>, vector<1x16xf32>,
      %mul3A_128 = arith.constant 2 : i32
      %mul3A_129 = arith.muli %mul3A_128, %scan3A_89 : i32
      %add3A_130 = arith.constant 0 : i32
      %add3A_131 = arith.addi %mul3A_129, %add3A_130 : i32
      %get3A_132 = arith.index_cast %add3A_131 : i32 to index
      %get3A_133 = arith.constant 32 : index
      %get3A_134 = tpu.vector_load %arg6[%get3A_132, %get3A_133] {strides = array<i32>} : memref<128x64xf32, #tpu.memory_space<vmem>>, vector<1x16xf32>,
      %get3A_135 = vector.shape_cast %get3A_134 : vector<1x16xf32> to vector<16xf32>
      %mul3A_136 = arith.constant 8.000000e+00 : f32
      %mul3A_137 = vector.broadcast %mul3A_136 : f32 to vector<16xf32>
      %mul3A_138 = arith.mulf %get3A_135, %mul3A_137 : vector<16xf32>
      %mul3A_139 = arith.constant 2 : i32
      %mul3A_140 = arith.muli %mul3A_139, %scan3A_89 : i32
      %add3A_141 = arith.constant 0 : i32
      %add3A_142 = arith.addi %mul3A_140, %add3A_141 : i32
      %swap3A_143 = arith.index_cast %add3A_142 : i32 to index
      %swap3A_144 = arith.constant 32 : index
      %swap3A_145 = tpu.vector_load %arg10[%swap3A_143, %swap3A_144] {strides = array<i32>} : memref<128x64xf32, #tpu.memory_space<vmem>>, vector<1x16xf32>,
      %swap3A_146 = vector.shape_cast %swap3A_145 : vector<1x16xf32> to vector<16xf32>
      %swap3A_147 = vector.shape_cast %mul3A_138 : vector<16xf32> to vector<1x16xf32>
      tpu.vector_store %arg10[%swap3A_143, %swap3A_144], %swap3A_147 {strides = array<i32>} : memref<128x64xf32, #tpu.memory_space<vmem>>, vector<1x16xf32>,
      %mul3A_148 = arith.constant 2 : i32
      %mul3A_149 = arith.muli %mul3A_148, %scan3A_89 : i32
      %add3A_150 = arith.constant 0 : i32
      %add3A_151 = arith.addi %mul3A_149, %add3A_150 : i32
      %get3A_152 = arith.index_cast %add3A_151 : i32 to index
      %get3A_153 = arith.constant 48 : index
      %get3A_154 = tpu.vector_load %arg6[%get3A_152, %get3A_153] {strides = array<i32>} : memref<128x64xf32, #tpu.memory_space<vmem>>, vector<1x16xf32>,
      %get3A_155 = vector.shape_cast %get3A_154 : vector<1x16xf32> to vector<16xf32>
      %mul3A_156 = arith.constant 8.000000e+00 : f32
      %mul3A_157 = vector.broadcast %mul3A_156 : f32 to vector<16xf32>
      %mul3A_158 = arith.mulf %get3A_155, %mul3A_157 : vector<16xf32>
      %mul3A_159 = arith.constant 2 : i32
      %mul3A_160 = arith.muli %mul3A_159, %scan3A_89 : i32
      %add3A_161 = arith.constant 0 : i32
      %add3A_162 = arith.addi %mul3A_160, %add3A_161 : i32
      %swap3A_163 = arith.index_cast %add3A_162 : i32 to index
      %swap3A_164 = arith.constant 48 : index
      %swap3A_165 = tpu.vector_load %arg10[%swap3A_163, %swap3A_164] {strides = array<i32>} : memref<128x64xf32, #tpu.memory_space<vmem>>, vector<1x16xf32>,
      %swap3A_166 = vector.shape_cast %swap3A_165 : vector<1x16xf32> to vector<16xf32>
      %swap3A_167 = vector.shape_cast %mul3A_158 : vector<16xf32> to vector<1x16xf32>
      tpu.vector_store %arg10[%swap3A_163, %swap3A_164], %swap3A_167 {strides = array<i32>} : memref<128x64xf32, #tpu.memory_space<vmem>>, vector<1x16xf32>,
      %mul3A_168 = arith.constant 2 : i32
      %mul3A_169 = arith.muli %mul3A_168, %scan3A_89 : i32
      %add3A_170 = arith.constant 1 : i32
      %add3A_171 = arith.addi %mul3A_169, %add3A_170 : i32
      %get3A_172 = arith.index_cast %add3A_171 : i32 to index
      %get3A_173 = arith.constant 0 : index
      %get3A_174 = tpu.vector_load %arg6[%get3A_172, %get3A_173] {strides = array<i32>} : memref<128x64xf32, #tpu.memory_space<vmem>>, vector<1x16xf32>,
      %get3A_175 = vector.shape_cast %get3A_174 : vector<1x16xf32> to vector<16xf32>
      %mul3A_176 = arith.constant 8.000000e+00 : f32
      %mul3A_177 = vector.broadcast %mul3A_176 : f32 to vector<16xf32>
      %mul3A_178 = arith.mulf %get3A_175, %mul3A_177 : vector<16xf32>
      %mul3A_179 = arith.constant 2 : i32
      %mul3A_180 = arith.muli %mul3A_179, %scan3A_89 : i32
      %add3A_181 = arith.constant 1 : i32
      %add3A_182 = arith.addi %mul3A_180, %add3A_181 : i32
      %swap3A_183 = arith.index_cast %add3A_182 : i32 to index
      %swap3A_184 = arith.constant 0 : index
      %swap3A_185 = tpu.vector_load %arg10[%swap3A_183, %swap3A_184] {strides = array<i32>} : memref<128x64xf32, #tpu.memory_space<vmem>>, vector<1x16xf32>,
      %swap3A_186 = vector.shape_cast %swap3A_185 : vector<1x16xf32> to vector<16xf32>
      %swap3A_187 = vector.shape_cast %mul3A_178 : vector<16xf32> to vector<1x16xf32>
      tpu.vector_store %arg10[%swap3A_183, %swap3A_184], %swap3A_187 {strides = array<i32>} : memref<128x64xf32, #tpu.memory_space<vmem>>, vector<1x16xf32>,
      %mul3A_188 = arith.constant 2 : i32
      %mul3A_189 = arith.muli %mul3A_188, %scan3A_89 : i32
      %add3A_190 = arith.constant 1 : i32
      %add3A_191 = arith.addi %mul3A_189, %add3A_190 : i32
      %get3A_192 = arith.index_cast %add3A_191 : i32 to index
      %get3A_193 = arith.constant 16 : index
      %get3A_194 = tpu.vector_load %arg6[%get3A_192, %get3A_193] {strides = array<i32>} : memref<128x64xf32, #tpu.memory_space<vmem>>, vector<1x16xf32>,
      %get3A_195 = vector.shape_cast %get3A_194 : vector<1x16xf32> to vector<16xf32>
      %mul3A_196 = arith.constant 8.000000e+00 : f32
      %mul3A_197 = vector.broadcast %mul3A_196 : f32 to vector<16xf32>
      %mul3A_198 = arith.mulf %get3A_195, %mul3A_197 : vector<16xf32>
      %mul3A_199 = arith.constant 2 : i32
      %mul3A_200 = arith.muli %mul3A_199, %scan3A_89 : i32
      %add3A_201 = arith.constant 1 : i32
      %add3A_202 = arith.addi %mul3A_200, %add3A_201 : i32
      %swap3A_203 = arith.index_cast %add3A_202 : i32 to index
      %swap3A_204 = arith.constant 16 : index
      %swap3A_205 = tpu.vector_load %arg10[%swap3A_203, %swap3A_204] {strides = array<i32>} : memref<128x64xf32, #tpu.memory_space<vmem>>, vector<1x16xf32>,
      %swap3A_206 = vector.shape_cast %swap3A_205 : vector<1x16xf32> to vector<16xf32>
      %swap3A_207 = vector.shape_cast %mul3A_198 : vector<16xf32> to vector<1x16xf32>
      tpu.vector_store %arg10[%swap3A_203, %swap3A_204], %swap3A_207 {strides = array<i32>} : memref<128x64xf32, #tpu.memory_space<vmem>>, vector<1x16xf32>,
      %mul3A_208 = arith.constant 2 : i32
      %mul3A_209 = arith.muli %mul3A_208, %scan3A_89 : i32
      %add3A_210 = arith.constant 1 : i32
      %add3A_211 = arith.addi %mul3A_209, %add3A_210 : i32
      %get3A_212 = arith.index_cast %add3A_211 : i32 to index
      %get3A_213 = arith.constant 32 : index
      %get3A_214 = tpu.vector_load %arg6[%get3A_212, %get3A_213] {strides = array<i32>} : memref<128x64xf32, #tpu.memory_space<vmem>>, vector<1x16xf32>,
      %get3A_215 = vector.shape_cast %get3A_214 : vector<1x16xf32> to vector<16xf32>
      %mul3A_216 = arith.constant 8.000000e+00 : f32
      %mul3A_217 = vector.broadcast %mul3A_216 : f32 to vector<16xf32>
      %mul3A_218 = arith.mulf %get3A_215, %mul3A_217 : vector<16xf32>
      %mul3A_219 = arith.constant 2 : i32
      %mul3A_220 = arith.muli %mul3A_219, %scan3A_89 : i32
      %add3A_221 = arith.constant 1 : i32
      %add3A_222 = arith.addi %mul3A_220, %add3A_221 : i32
      %swap3A_223 = arith.index_cast %add3A_222 : i32 to index
      %swap3A_224 = arith.constant 32 : index
      %swap3A_225 = tpu.vector_load %arg10[%swap3A_223, %swap3A_224] {strides = array<i32>} : memref<128x64xf32, #tpu.memory_space<vmem>>, vector<1x16xf32>,
      %swap3A_226 = vector.shape_cast %swap3A_225 : vector<1x16xf32> to vector<16xf32>
      %swap3A_227 = vector.shape_cast %mul3A_218 : vector<16xf32> to vector<1x16xf32>
      tpu.vector_store %arg10[%swap3A_223, %swap3A_224], %swap3A_227 {strides = array<i32>} : memref<128x64xf32, #tpu.memory_space<vmem>>, vector<1x16xf32>,
      %mul3A_228 = arith.constant 2 : i32
      %mul3A_229 = arith.muli %mul3A_228, %scan3A_89 : i32
      %add3A_230 = arith.constant 1 : i32
      %add3A_231 = arith.addi %mul3A_229, %add3A_230 : i32
      %get3A_232 = arith.index_cast %add3A_231 : i32 to index
      %get3A_233 = arith.constant 48 : index
      %get3A_234 = tpu.vector_load %arg6[%get3A_232, %get3A_233] {strides = array<i32>} : memref<128x64xf32, #tpu.memory_space<vmem>>, vector<1x16xf32>,
      %get3A_235 = vector.shape_cast %get3A_234 : vector<1x16xf32> to vector<16xf32>
      %mul3A_236 = arith.constant 8.000000e+00 : f32
      %mul3A_237 = vector.broadcast %mul3A_236 : f32 to vector<16xf32>
      %mul3A_238 = arith.mulf %get3A_235, %mul3A_237 : vector<16xf32>
      %mul3A_239 = arith.constant 2 : i32
      %mul3A_240 = arith.muli %mul3A_239, %scan3A_89 : i32
      %add3A_241 = arith.constant 1 : i32
      %add3A_242 = arith.addi %mul3A_240, %add3A_241 : i32
      %swap3A_243 = arith.index_cast %add3A_242 : i32 to index
      %swap3A_244 = arith.constant 48 : index
      %swap3A_245 = tpu.vector_load %arg10[%swap3A_243, %swap3A_244] {strides = array<i32>} : memref<128x64xf32, #tpu.memory_space<vmem>>, vector<1x16xf32>,
      %swap3A_246 = vector.shape_cast %swap3A_245 : vector<1x16xf32> to vector<16xf32>
      %swap3A_247 = vector.shape_cast %mul3A_238 : vector<16xf32> to vector<1x16xf32>
      tpu.vector_store %arg10[%swap3A_243, %swap3A_244], %swap3A_247 {strides = array<i32>} : memref<128x64xf32, #tpu.memory_space<vmem>>, vector<1x16xf32>,
    }
    %scan3A_46 = arith.constant 64 : i32
    %run_scoped3A = arith.constant 196 : i32
    "tpu.region"() ({
      %run_scoped3A_89 = tpu.sem_alloc : memref<!tpu.dma_semaphore, #tpu.memory_space<semaphore_mem>>
      %dma_start3A_90 = arith.constant 0 : i32
      %dma_start3A_91 = tpu.memref_slice %arg4[%run_scoped3A, %mul3A_2, %dma_start3A_90] : memref<200x4096x64xf32, #tpu.memory_space<hbm>> -> memref<1x128x64xf32, #tpu.memory_space<hbm>>
      %dma_start3A_92 = tpu.memref_squeeze %dma_start3A_91 : memref<1x128x64xf32, #tpu.memory_space<hbm>> -> memref<128x64xf32, #tpu.memory_space<hbm>>
      %dma_start3A_93 = arith.constant 0 : i32
      %dma_start3A_94 = tpu.memref_slice %arg4[%run_scoped3A, %mul3A_2, %dma_start3A_93] : memref<200x4096x64xf32, #tpu.memory_space<hbm>> -> memref<1x128x64xf32, #tpu.memory_space<hbm>>
      %dma_start3A_95 = tpu.memref_squeeze %dma_start3A_94 : memref<1x128x64xf32, #tpu.memory_space<hbm>> -> memref<128x64xf32, #tpu.memory_space<hbm>>
      tpu.enqueue_dma source(%arg10 : memref<128x64xf32, #tpu.memory_space<vmem>>) target(%dma_start3A_95 : memref<128x64xf32, #tpu.memory_space<hbm>>) target_semaphore(%run_scoped3A_89 : memref<!tpu.dma_semaphore, #tpu.memory_space<semaphore_mem>>)
      %dma_wait3A_96 = arith.constant 0 : i32
      %dma_wait3A_97 = tpu.memref_slice %arg4[%run_scoped3A, %mul3A_2, %dma_wait3A_96] : memref<200x4096x64xf32, #tpu.memory_space<hbm>> -> memref<1x128x64xf32, #tpu.memory_space<hbm>>
      %dma_wait3A_98 = tpu.memref_squeeze %dma_wait3A_97 : memref<1x128x64xf32, #tpu.memory_space<hbm>> -> memref<128x64xf32, #tpu.memory_space<hbm>>
      %dma_wait3A_99 = arith.constant 0 : i32
      %dma_wait3A_100 = tpu.memref_slice %arg4[%run_scoped3A, %mul3A_2, %dma_wait3A_99] : memref<200x4096x64xf32, #tpu.memory_space<hbm>> -> memref<1x128x64xf32, #tpu.memory_space<hbm>>
      %dma_wait3A_101 = tpu.memref_squeeze %dma_wait3A_100 : memref<1x128x64xf32, #tpu.memory_space<hbm>> -> memref<128x64xf32, #tpu.memory_space<hbm>>
      tpu.wait_dma2 semaphore(%run_scoped3A_89 : memref<!tpu.dma_semaphore, #tpu.memory_space<semaphore_mem>>) src(%arg10 : memref<128x64xf32, #tpu.memory_space<vmem>>) dst(%dma_wait3A_101 : memref<128x64xf32, #tpu.memory_space<hbm>>)
      tpu.yield
    }) : () -> ()
    %dma_wait3A_47 = arith.constant 197 : i32
    %dma_wait3A_48 = arith.constant 0 : i32
    %dma_wait3A_49 = tpu.memref_slice %arg5[%dma_wait3A_47, %dma_wait3A_48] : memref<200x128xi32, #tpu.memory_space<vmem>> -> memref<1x128xi32, #tpu.memory_space<vmem>>
    %dma_wait3A_50 = tpu.memref_squeeze %dma_wait3A_49 : memref<1x128xi32, #tpu.memory_space<vmem>> -> memref<128xi32, #tpu.memory_space<vmem>>
    %dma_wait3A_51 = arith.constant 0 : i32
    %dma_wait3A_52 = arith.constant 0 : i32
    %dma_wait3A_53 = tpu.memref_slice %arg3[%dma_wait3A_51, %dma_wait3A_52] : memref<1000000x64xf32, #tpu.memory_space<hbm>> -> memref<1000000x64xf32, #tpu.memory_space<hbm>>
    tpu.wait_indirect_dma semaphore(%arg15 : memref<!tpu.dma_semaphore, #tpu.memory_space<semaphore_mem>>) src(%dma_wait3A_53 : memref<1000000x64xf32, #tpu.memory_space<hbm>>) dst(%arg7 : memref<128x64xf32, #tpu.memory_space<vmem>>)
    %scan3A_54 = arith.constant 0 : i32
    %scan3A_55 = arith.constant 0 : i32
    %scan3A_56 = arith.constant 64 : i32
    %scan3A_57 = arith.addi %scan3A_55, %scan3A_56 : i32
    %scan3A_58 = arith.constant 1 : i32
    scf.for %scan3A_89 = %scan3A_55 to %scan3A_57 step %scan3A_58  : i32 {
      %mul3A_90 = arith.constant 2 : i32
      %mul3A_91 = arith.muli %mul3A_90, %scan3A_89 : i32
      %add3A_92 = arith.constant 0 : i32
      %add3A_93 = arith.addi %mul3A_91, %add3A_92 : i32
      %get3A = arith.index_cast %add3A_93 : i32 to index
      %get3A_94 = arith.constant 0 : index
      %get3A_95 = tpu.vector_load %arg7[%get3A, %get3A_94] {strides = array<i32>} : memref<128x64xf32, #tpu.memory_space<vmem>>, vector<1x16xf32>,
      %get3A_96 = vector.shape_cast %get3A_95 : vector<1x16xf32> to vector<16xf32>
      %mul3A_97 = arith.constant 8.000000e+00 : f32
      %mul3A_98 = vector.broadcast %mul3A_97 : f32 to vector<16xf32>
      %mul3A_99 = arith.mulf %get3A_96, %mul3A_98 : vector<16xf32>
      %mul3A_100 = arith.constant 2 : i32
      %mul3A_101 = arith.muli %mul3A_100, %scan3A_89 : i32
      %add3A_102 = arith.constant 0 : i32
      %add3A_103 = arith.addi %mul3A_101, %add3A_102 : i32
      %swap3A = arith.index_cast %add3A_103 : i32 to index
      %swap3A_104 = arith.constant 0 : index
      %swap3A_105 = tpu.vector_load %arg11[%swap3A, %swap3A_104] {strides = array<i32>} : memref<128x64xf32, #tpu.memory_space<vmem>>, vector<1x16xf32>,
      %swap3A_106 = vector.shape_cast %swap3A_105 : vector<1x16xf32> to vector<16xf32>
      %swap3A_107 = vector.shape_cast %mul3A_99 : vector<16xf32> to vector<1x16xf32>
      tpu.vector_store %arg11[%swap3A, %swap3A_104], %swap3A_107 {strides = array<i32>} : memref<128x64xf32, #tpu.memory_space<vmem>>, vector<1x16xf32>,
      %mul3A_108 = arith.constant 2 : i32
      %mul3A_109 = arith.muli %mul3A_108, %scan3A_89 : i32
      %add3A_110 = arith.constant 0 : i32
      %add3A_111 = arith.addi %mul3A_109, %add3A_110 : i32
      %get3A_112 = arith.index_cast %add3A_111 : i32 to index
      %get3A_113 = arith.constant 16 : index
      %get3A_114 = tpu.vector_load %arg7[%get3A_112, %get3A_113] {strides = array<i32>} : memref<128x64xf32, #tpu.memory_space<vmem>>, vector<1x16xf32>,
      %get3A_115 = vector.shape_cast %get3A_114 : vector<1x16xf32> to vector<16xf32>
      %mul3A_116 = arith.constant 8.000000e+00 : f32
      %mul3A_117 = vector.broadcast %mul3A_116 : f32 to vector<16xf32>
      %mul3A_118 = arith.mulf %get3A_115, %mul3A_117 : vector<16xf32>
      %mul3A_119 = arith.constant 2 : i32
      %mul3A_120 = arith.muli %mul3A_119, %scan3A_89 : i32
      %add3A_121 = arith.constant 0 : i32
      %add3A_122 = arith.addi %mul3A_120, %add3A_121 : i32
      %swap3A_123 = arith.index_cast %add3A_122 : i32 to index
      %swap3A_124 = arith.constant 16 : index
      %swap3A_125 = tpu.vector_load %arg11[%swap3A_123, %swap3A_124] {strides = array<i32>} : memref<128x64xf32, #tpu.memory_space<vmem>>, vector<1x16xf32>,
      %swap3A_126 = vector.shape_cast %swap3A_125 : vector<1x16xf32> to vector<16xf32>
      %swap3A_127 = vector.shape_cast %mul3A_118 : vector<16xf32> to vector<1x16xf32>
      tpu.vector_store %arg11[%swap3A_123, %swap3A_124], %swap3A_127 {strides = array<i32>} : memref<128x64xf32, #tpu.memory_space<vmem>>, vector<1x16xf32>,
      %mul3A_128 = arith.constant 2 : i32
      %mul3A_129 = arith.muli %mul3A_128, %scan3A_89 : i32
      %add3A_130 = arith.constant 0 : i32
      %add3A_131 = arith.addi %mul3A_129, %add3A_130 : i32
      %get3A_132 = arith.index_cast %add3A_131 : i32 to index
      %get3A_133 = arith.constant 32 : index
      %get3A_134 = tpu.vector_load %arg7[%get3A_132, %get3A_133] {strides = array<i32>} : memref<128x64xf32, #tpu.memory_space<vmem>>, vector<1x16xf32>,
      %get3A_135 = vector.shape_cast %get3A_134 : vector<1x16xf32> to vector<16xf32>
      %mul3A_136 = arith.constant 8.000000e+00 : f32
      %mul3A_137 = vector.broadcast %mul3A_136 : f32 to vector<16xf32>
      %mul3A_138 = arith.mulf %get3A_135, %mul3A_137 : vector<16xf32>
      %mul3A_139 = arith.constant 2 : i32
      %mul3A_140 = arith.muli %mul3A_139, %scan3A_89 : i32
      %add3A_141 = arith.constant 0 : i32
      %add3A_142 = arith.addi %mul3A_140, %add3A_141 : i32
      %swap3A_143 = arith.index_cast %add3A_142 : i32 to index
      %swap3A_144 = arith.constant 32 : index
      %swap3A_145 = tpu.vector_load %arg11[%swap3A_143, %swap3A_144] {strides = array<i32>} : memref<128x64xf32, #tpu.memory_space<vmem>>, vector<1x16xf32>,
      %swap3A_146 = vector.shape_cast %swap3A_145 : vector<1x16xf32> to vector<16xf32>
      %swap3A_147 = vector.shape_cast %mul3A_138 : vector<16xf32> to vector<1x16xf32>
      tpu.vector_store %arg11[%swap3A_143, %swap3A_144], %swap3A_147 {strides = array<i32>} : memref<128x64xf32, #tpu.memory_space<vmem>>, vector<1x16xf32>,
      %mul3A_148 = arith.constant 2 : i32
      %mul3A_149 = arith.muli %mul3A_148, %scan3A_89 : i32
      %add3A_150 = arith.constant 0 : i32
      %add3A_151 = arith.addi %mul3A_149, %add3A_150 : i32
      %get3A_152 = arith.index_cast %add3A_151 : i32 to index
      %get3A_153 = arith.constant 48 : index
      %get3A_154 = tpu.vector_load %arg7[%get3A_152, %get3A_153] {strides = array<i32>} : memref<128x64xf32, #tpu.memory_space<vmem>>, vector<1x16xf32>,
      %get3A_155 = vector.shape_cast %get3A_154 : vector<1x16xf32> to vector<16xf32>
      %mul3A_156 = arith.constant 8.000000e+00 : f32
      %mul3A_157 = vector.broadcast %mul3A_156 : f32 to vector<16xf32>
      %mul3A_158 = arith.mulf %get3A_155, %mul3A_157 : vector<16xf32>
      %mul3A_159 = arith.constant 2 : i32
      %mul3A_160 = arith.muli %mul3A_159, %scan3A_89 : i32
      %add3A_161 = arith.constant 0 : i32
      %add3A_162 = arith.addi %mul3A_160, %add3A_161 : i32
      %swap3A_163 = arith.index_cast %add3A_162 : i32 to index
      %swap3A_164 = arith.constant 48 : index
      %swap3A_165 = tpu.vector_load %arg11[%swap3A_163, %swap3A_164] {strides = array<i32>} : memref<128x64xf32, #tpu.memory_space<vmem>>, vector<1x16xf32>,
      %swap3A_166 = vector.shape_cast %swap3A_165 : vector<1x16xf32> to vector<16xf32>
      %swap3A_167 = vector.shape_cast %mul3A_158 : vector<16xf32> to vector<1x16xf32>
      tpu.vector_store %arg11[%swap3A_163, %swap3A_164], %swap3A_167 {strides = array<i32>} : memref<128x64xf32, #tpu.memory_space<vmem>>, vector<1x16xf32>,
      %mul3A_168 = arith.constant 2 : i32
      %mul3A_169 = arith.muli %mul3A_168, %scan3A_89 : i32
      %add3A_170 = arith.constant 1 : i32
      %add3A_171 = arith.addi %mul3A_169, %add3A_170 : i32
      %get3A_172 = arith.index_cast %add3A_171 : i32 to index
      %get3A_173 = arith.constant 0 : index
      %get3A_174 = tpu.vector_load %arg7[%get3A_172, %get3A_173] {strides = array<i32>} : memref<128x64xf32, #tpu.memory_space<vmem>>, vector<1x16xf32>,
      %get3A_175 = vector.shape_cast %get3A_174 : vector<1x16xf32> to vector<16xf32>
      %mul3A_176 = arith.constant 8.000000e+00 : f32
      %mul3A_177 = vector.broadcast %mul3A_176 : f32 to vector<16xf32>
      %mul3A_178 = arith.mulf %get3A_175, %mul3A_177 : vector<16xf32>
      %mul3A_179 = arith.constant 2 : i32
      %mul3A_180 = arith.muli %mul3A_179, %scan3A_89 : i32
      %add3A_181 = arith.constant 1 : i32
      %add3A_182 = arith.addi %mul3A_180, %add3A_181 : i32
      %swap3A_183 = arith.index_cast %add3A_182 : i32 to index
      %swap3A_184 = arith.constant 0 : index
      %swap3A_185 = tpu.vector_load %arg11[%swap3A_183, %swap3A_184] {strides = array<i32>} : memref<128x64xf32, #tpu.memory_space<vmem>>, vector<1x16xf32>,
      %swap3A_186 = vector.shape_cast %swap3A_185 : vector<1x16xf32> to vector<16xf32>
      %swap3A_187 = vector.shape_cast %mul3A_178 : vector<16xf32> to vector<1x16xf32>
      tpu.vector_store %arg11[%swap3A_183, %swap3A_184], %swap3A_187 {strides = array<i32>} : memref<128x64xf32, #tpu.memory_space<vmem>>, vector<1x16xf32>,
      %mul3A_188 = arith.constant 2 : i32
      %mul3A_189 = arith.muli %mul3A_188, %scan3A_89 : i32
      %add3A_190 = arith.constant 1 : i32
      %add3A_191 = arith.addi %mul3A_189, %add3A_190 : i32
      %get3A_192 = arith.index_cast %add3A_191 : i32 to index
      %get3A_193 = arith.constant 16 : index
      %get3A_194 = tpu.vector_load %arg7[%get3A_192, %get3A_193] {strides = array<i32>} : memref<128x64xf32, #tpu.memory_space<vmem>>, vector<1x16xf32>,
      %get3A_195 = vector.shape_cast %get3A_194 : vector<1x16xf32> to vector<16xf32>
      %mul3A_196 = arith.constant 8.000000e+00 : f32
      %mul3A_197 = vector.broadcast %mul3A_196 : f32 to vector<16xf32>
      %mul3A_198 = arith.mulf %get3A_195, %mul3A_197 : vector<16xf32>
      %mul3A_199 = arith.constant 2 : i32
      %mul3A_200 = arith.muli %mul3A_199, %scan3A_89 : i32
      %add3A_201 = arith.constant 1 : i32
      %add3A_202 = arith.addi %mul3A_200, %add3A_201 : i32
      %swap3A_203 = arith.index_cast %add3A_202 : i32 to index
      %swap3A_204 = arith.constant 16 : index
      %swap3A_205 = tpu.vector_load %arg11[%swap3A_203, %swap3A_204] {strides = array<i32>} : memref<128x64xf32, #tpu.memory_space<vmem>>, vector<1x16xf32>,
      %swap3A_206 = vector.shape_cast %swap3A_205 : vector<1x16xf32> to vector<16xf32>
      %swap3A_207 = vector.shape_cast %mul3A_198 : vector<16xf32> to vector<1x16xf32>
      tpu.vector_store %arg11[%swap3A_203, %swap3A_204], %swap3A_207 {strides = array<i32>} : memref<128x64xf32, #tpu.memory_space<vmem>>, vector<1x16xf32>,
      %mul3A_208 = arith.constant 2 : i32
      %mul3A_209 = arith.muli %mul3A_208, %scan3A_89 : i32
      %add3A_210 = arith.constant 1 : i32
      %add3A_211 = arith.addi %mul3A_209, %add3A_210 : i32
      %get3A_212 = arith.index_cast %add3A_211 : i32 to index
      %get3A_213 = arith.constant 32 : index
      %get3A_214 = tpu.vector_load %arg7[%get3A_212, %get3A_213] {strides = array<i32>} : memref<128x64xf32, #tpu.memory_space<vmem>>, vector<1x16xf32>,
      %get3A_215 = vector.shape_cast %get3A_214 : vector<1x16xf32> to vector<16xf32>
      %mul3A_216 = arith.constant 8.000000e+00 : f32
      %mul3A_217 = vector.broadcast %mul3A_216 : f32 to vector<16xf32>
      %mul3A_218 = arith.mulf %get3A_215, %mul3A_217 : vector<16xf32>
      %mul3A_219 = arith.constant 2 : i32
      %mul3A_220 = arith.muli %mul3A_219, %scan3A_89 : i32
      %add3A_221 = arith.constant 1 : i32
      %add3A_222 = arith.addi %mul3A_220, %add3A_221 : i32
      %swap3A_223 = arith.index_cast %add3A_222 : i32 to index
      %swap3A_224 = arith.constant 32 : index
      %swap3A_225 = tpu.vector_load %arg11[%swap3A_223, %swap3A_224] {strides = array<i32>} : memref<128x64xf32, #tpu.memory_space<vmem>>, vector<1x16xf32>,
      %swap3A_226 = vector.shape_cast %swap3A_225 : vector<1x16xf32> to vector<16xf32>
      %swap3A_227 = vector.shape_cast %mul3A_218 : vector<16xf32> to vector<1x16xf32>
      tpu.vector_store %arg11[%swap3A_223, %swap3A_224], %swap3A_227 {strides = array<i32>} : memref<128x64xf32, #tpu.memory_space<vmem>>, vector<1x16xf32>,
      %mul3A_228 = arith.constant 2 : i32
      %mul3A_229 = arith.muli %mul3A_228, %scan3A_89 : i32
      %add3A_230 = arith.constant 1 : i32
      %add3A_231 = arith.addi %mul3A_229, %add3A_230 : i32
      %get3A_232 = arith.index_cast %add3A_231 : i32 to index
      %get3A_233 = arith.constant 48 : index
      %get3A_234 = tpu.vector_load %arg7[%get3A_232, %get3A_233] {strides = array<i32>} : memref<128x64xf32, #tpu.memory_space<vmem>>, vector<1x16xf32>,
      %get3A_235 = vector.shape_cast %get3A_234 : vector<1x16xf32> to vector<16xf32>
      %mul3A_236 = arith.constant 8.000000e+00 : f32
      %mul3A_237 = vector.broadcast %mul3A_236 : f32 to vector<16xf32>
      %mul3A_238 = arith.mulf %get3A_235, %mul3A_237 : vector<16xf32>
      %mul3A_239 = arith.constant 2 : i32
      %mul3A_240 = arith.muli %mul3A_239, %scan3A_89 : i32
      %add3A_241 = arith.constant 1 : i32
      %add3A_242 = arith.addi %mul3A_240, %add3A_241 : i32
      %swap3A_243 = arith.index_cast %add3A_242 : i32 to index
      %swap3A_244 = arith.constant 48 : index
      %swap3A_245 = tpu.vector_load %arg11[%swap3A_243, %swap3A_244] {strides = array<i32>} : memref<128x64xf32, #tpu.memory_space<vmem>>, vector<1x16xf32>,
      %swap3A_246 = vector.shape_cast %swap3A_245 : vector<1x16xf32> to vector<16xf32>
      %swap3A_247 = vector.shape_cast %mul3A_238 : vector<16xf32> to vector<1x16xf32>
      tpu.vector_store %arg11[%swap3A_243, %swap3A_244], %swap3A_247 {strides = array<i32>} : memref<128x64xf32, #tpu.memory_space<vmem>>, vector<1x16xf32>,
    }
    %scan3A_59 = arith.constant 64 : i32
    %run_scoped3A_60 = arith.constant 197 : i32
    "tpu.region"() ({
      %run_scoped3A_89 = tpu.sem_alloc : memref<!tpu.dma_semaphore, #tpu.memory_space<semaphore_mem>>
      %dma_start3A_90 = arith.constant 0 : i32
      %dma_start3A_91 = tpu.memref_slice %arg4[%run_scoped3A_60, %mul3A_2, %dma_start3A_90] : memref<200x4096x64xf32, #tpu.memory_space<hbm>> -> memref<1x128x64xf32, #tpu.memory_space<hbm>>
      %dma_start3A_92 = tpu.memref_squeeze %dma_start3A_91 : memref<1x128x64xf32, #tpu.memory_space<hbm>> -> memref<128x64xf32, #tpu.memory_space<hbm>>
      %dma_start3A_93 = arith.constant 0 : i32
      %dma_start3A_94 = tpu.memref_slice %arg4[%run_scoped3A_60, %mul3A_2, %dma_start3A_93] : memref<200x4096x64xf32, #tpu.memory_space<hbm>> -> memref<1x128x64xf32, #tpu.memory_space<hbm>>
      %dma_start3A_95 = tpu.memref_squeeze %dma_start3A_94 : memref<1x128x64xf32, #tpu.memory_space<hbm>> -> memref<128x64xf32, #tpu.memory_space<hbm>>
      tpu.enqueue_dma source(%arg11 : memref<128x64xf32, #tpu.memory_space<vmem>>) target(%dma_start3A_95 : memref<128x64xf32, #tpu.memory_space<hbm>>) target_semaphore(%run_scoped3A_89 : memref<!tpu.dma_semaphore, #tpu.memory_space<semaphore_mem>>)
      %dma_wait3A_96 = arith.constant 0 : i32
      %dma_wait3A_97 = tpu.memref_slice %arg4[%run_scoped3A_60, %mul3A_2, %dma_wait3A_96] : memref<200x4096x64xf32, #tpu.memory_space<hbm>> -> memref<1x128x64xf32, #tpu.memory_space<hbm>>
      %dma_wait3A_98 = tpu.memref_squeeze %dma_wait3A_97 : memref<1x128x64xf32, #tpu.memory_space<hbm>> -> memref<128x64xf32, #tpu.memory_space<hbm>>
      %dma_wait3A_99 = arith.constant 0 : i32
      %dma_wait3A_100 = tpu.memref_slice %arg4[%run_scoped3A_60, %mul3A_2, %dma_wait3A_99] : memref<200x4096x64xf32, #tpu.memory_space<hbm>> -> memref<1x128x64xf32, #tpu.memory_space<hbm>>
      %dma_wait3A_101 = tpu.memref_squeeze %dma_wait3A_100 : memref<1x128x64xf32, #tpu.memory_space<hbm>> -> memref<128x64xf32, #tpu.memory_space<hbm>>
      tpu.wait_dma2 semaphore(%run_scoped3A_89 : memref<!tpu.dma_semaphore, #tpu.memory_space<semaphore_mem>>) src(%arg11 : memref<128x64xf32, #tpu.memory_space<vmem>>) dst(%dma_wait3A_101 : memref<128x64xf32, #tpu.memory_space<hbm>>)
      tpu.yield
    }) : () -> ()
    %dma_wait3A_61 = arith.constant 198 : i32
    %dma_wait3A_62 = arith.constant 0 : i32
    %dma_wait3A_63 = tpu.memref_slice %arg5[%dma_wait3A_61, %dma_wait3A_62] : memref<200x128xi32, #tpu.memory_space<vmem>> -> memref<1x128xi32, #tpu.memory_space<vmem>>
    %dma_wait3A_64 = tpu.memref_squeeze %dma_wait3A_63 : memref<1x128xi32, #tpu.memory_space<vmem>> -> memref<128xi32, #tpu.memory_space<vmem>>
    %dma_wait3A_65 = arith.constant 0 : i32
    %dma_wait3A_66 = arith.constant 0 : i32
    %dma_wait3A_67 = tpu.memref_slice %arg3[%dma_wait3A_65, %dma_wait3A_66] : memref<1000000x64xf32, #tpu.memory_space<hbm>> -> memref<1000000x64xf32, #tpu.memory_space<hbm>>
    tpu.wait_indirect_dma semaphore(%arg16 : memref<!tpu.dma_semaphore, #tpu.memory_space<semaphore_mem>>) src(%dma_wait3A_67 : memref<1000000x64xf32, #tpu.memory_space<hbm>>) dst(%arg8 : memref<128x64xf32, #tpu.memory_space<vmem>>)
    %scan3A_68 = arith.constant 0 : i32
    %scan3A_69 = arith.constant 0 : i32
    %scan3A_70 = arith.constant 64 : i32
    %scan3A_71 = arith.addi %scan3A_69, %scan3A_70 : i32
    %scan3A_72 = arith.constant 1 : i32
    scf.for %scan3A_89 = %scan3A_69 to %scan3A_71 step %scan3A_72  : i32 {
      %mul3A_90 = arith.constant 2 : i32
      %mul3A_91 = arith.muli %mul3A_90, %scan3A_89 : i32
      %add3A_92 = arith.constant 0 : i32
      %add3A_93 = arith.addi %mul3A_91, %add3A_92 : i32
      %get3A = arith.index_cast %add3A_93 : i32 to index
      %get3A_94 = arith.constant 0 : index
      %get3A_95 = tpu.vector_load %arg8[%get3A, %get3A_94] {strides = array<i32>} : memref<128x64xf32, #tpu.memory_space<vmem>>, vector<1x16xf32>,
      %get3A_96 = vector.shape_cast %get3A_95 : vector<1x16xf32> to vector<16xf32>
      %mul3A_97 = arith.constant 8.000000e+00 : f32
      %mul3A_98 = vector.broadcast %mul3A_97 : f32 to vector<16xf32>
      %mul3A_99 = arith.mulf %get3A_96, %mul3A_98 : vector<16xf32>
      %mul3A_100 = arith.constant 2 : i32
      %mul3A_101 = arith.muli %mul3A_100, %scan3A_89 : i32
      %add3A_102 = arith.constant 0 : i32
      %add3A_103 = arith.addi %mul3A_101, %add3A_102 : i32
      %swap3A = arith.index_cast %add3A_103 : i32 to index
      %swap3A_104 = arith.constant 0 : index
      %swap3A_105 = tpu.vector_load %arg12[%swap3A, %swap3A_104] {strides = array<i32>} : memref<128x64xf32, #tpu.memory_space<vmem>>, vector<1x16xf32>,
      %swap3A_106 = vector.shape_cast %swap3A_105 : vector<1x16xf32> to vector<16xf32>
      %swap3A_107 = vector.shape_cast %mul3A_99 : vector<16xf32> to vector<1x16xf32>
      tpu.vector_store %arg12[%swap3A, %swap3A_104], %swap3A_107 {strides = array<i32>} : memref<128x64xf32, #tpu.memory_space<vmem>>, vector<1x16xf32>,
      %mul3A_108 = arith.constant 2 : i32
      %mul3A_109 = arith.muli %mul3A_108, %scan3A_89 : i32
      %add3A_110 = arith.constant 0 : i32
      %add3A_111 = arith.addi %mul3A_109, %add3A_110 : i32
      %get3A_112 = arith.index_cast %add3A_111 : i32 to index
      %get3A_113 = arith.constant 16 : index
      %get3A_114 = tpu.vector_load %arg8[%get3A_112, %get3A_113] {strides = array<i32>} : memref<128x64xf32, #tpu.memory_space<vmem>>, vector<1x16xf32>,
      %get3A_115 = vector.shape_cast %get3A_114 : vector<1x16xf32> to vector<16xf32>
      %mul3A_116 = arith.constant 8.000000e+00 : f32
      %mul3A_117 = vector.broadcast %mul3A_116 : f32 to vector<16xf32>
      %mul3A_118 = arith.mulf %get3A_115, %mul3A_117 : vector<16xf32>
      %mul3A_119 = arith.constant 2 : i32
      %mul3A_120 = arith.muli %mul3A_119, %scan3A_89 : i32
      %add3A_121 = arith.constant 0 : i32
      %add3A_122 = arith.addi %mul3A_120, %add3A_121 : i32
      %swap3A_123 = arith.index_cast %add3A_122 : i32 to index
      %swap3A_124 = arith.constant 16 : index
      %swap3A_125 = tpu.vector_load %arg12[%swap3A_123, %swap3A_124] {strides = array<i32>} : memref<128x64xf32, #tpu.memory_space<vmem>>, vector<1x16xf32>,
      %swap3A_126 = vector.shape_cast %swap3A_125 : vector<1x16xf32> to vector<16xf32>
      %swap3A_127 = vector.shape_cast %mul3A_118 : vector<16xf32> to vector<1x16xf32>
      tpu.vector_store %arg12[%swap3A_123, %swap3A_124], %swap3A_127 {strides = array<i32>} : memref<128x64xf32, #tpu.memory_space<vmem>>, vector<1x16xf32>,
      %mul3A_128 = arith.constant 2 : i32
      %mul3A_129 = arith.muli %mul3A_128, %scan3A_89 : i32
      %add3A_130 = arith.constant 0 : i32
      %add3A_131 = arith.addi %mul3A_129, %add3A_130 : i32
      %get3A_132 = arith.index_cast %add3A_131 : i32 to index
      %get3A_133 = arith.constant 32 : index
      %get3A_134 = tpu.vector_load %arg8[%get3A_132, %get3A_133] {strides = array<i32>} : memref<128x64xf32, #tpu.memory_space<vmem>>, vector<1x16xf32>,
      %get3A_135 = vector.shape_cast %get3A_134 : vector<1x16xf32> to vector<16xf32>
      %mul3A_136 = arith.constant 8.000000e+00 : f32
      %mul3A_137 = vector.broadcast %mul3A_136 : f32 to vector<16xf32>
      %mul3A_138 = arith.mulf %get3A_135, %mul3A_137 : vector<16xf32>
      %mul3A_139 = arith.constant 2 : i32
      %mul3A_140 = arith.muli %mul3A_139, %scan3A_89 : i32
      %add3A_141 = arith.constant 0 : i32
      %add3A_142 = arith.addi %mul3A_140, %add3A_141 : i32
      %swap3A_143 = arith.index_cast %add3A_142 : i32 to index
      %swap3A_144 = arith.constant 32 : index
      %swap3A_145 = tpu.vector_load %arg12[%swap3A_143, %swap3A_144] {strides = array<i32>} : memref<128x64xf32, #tpu.memory_space<vmem>>, vector<1x16xf32>,
      %swap3A_146 = vector.shape_cast %swap3A_145 : vector<1x16xf32> to vector<16xf32>
      %swap3A_147 = vector.shape_cast %mul3A_138 : vector<16xf32> to vector<1x16xf32>
      tpu.vector_store %arg12[%swap3A_143, %swap3A_144], %swap3A_147 {strides = array<i32>} : memref<128x64xf32, #tpu.memory_space<vmem>>, vector<1x16xf32>,
      %mul3A_148 = arith.constant 2 : i32
      %mul3A_149 = arith.muli %mul3A_148, %scan3A_89 : i32
      %add3A_150 = arith.constant 0 : i32
      %add3A_151 = arith.addi %mul3A_149, %add3A_150 : i32
      %get3A_152 = arith.index_cast %add3A_151 : i32 to index
      %get3A_153 = arith.constant 48 : index
      %get3A_154 = tpu.vector_load %arg8[%get3A_152, %get3A_153] {strides = array<i32>} : memref<128x64xf32, #tpu.memory_space<vmem>>, vector<1x16xf32>,
      %get3A_155 = vector.shape_cast %get3A_154 : vector<1x16xf32> to vector<16xf32>
      %mul3A_156 = arith.constant 8.000000e+00 : f32
      %mul3A_157 = vector.broadcast %mul3A_156 : f32 to vector<16xf32>
      %mul3A_158 = arith.mulf %get3A_155, %mul3A_157 : vector<16xf32>
      %mul3A_159 = arith.constant 2 : i32
      %mul3A_160 = arith.muli %mul3A_159, %scan3A_89 : i32
      %add3A_161 = arith.constant 0 : i32
      %add3A_162 = arith.addi %mul3A_160, %add3A_161 : i32
      %swap3A_163 = arith.index_cast %add3A_162 : i32 to index
      %swap3A_164 = arith.constant 48 : index
      %swap3A_165 = tpu.vector_load %arg12[%swap3A_163, %swap3A_164] {strides = array<i32>} : memref<128x64xf32, #tpu.memory_space<vmem>>, vector<1x16xf32>,
      %swap3A_166 = vector.shape_cast %swap3A_165 : vector<1x16xf32> to vector<16xf32>
      %swap3A_167 = vector.shape_cast %mul3A_158 : vector<16xf32> to vector<1x16xf32>
      tpu.vector_store %arg12[%swap3A_163, %swap3A_164], %swap3A_167 {strides = array<i32>} : memref<128x64xf32, #tpu.memory_space<vmem>>, vector<1x16xf32>,
      %mul3A_168 = arith.constant 2 : i32
      %mul3A_169 = arith.muli %mul3A_168, %scan3A_89 : i32
      %add3A_170 = arith.constant 1 : i32
      %add3A_171 = arith.addi %mul3A_169, %add3A_170 : i32
      %get3A_172 = arith.index_cast %add3A_171 : i32 to index
      %get3A_173 = arith.constant 0 : index
      %get3A_174 = tpu.vector_load %arg8[%get3A_172, %get3A_173] {strides = array<i32>} : memref<128x64xf32, #tpu.memory_space<vmem>>, vector<1x16xf32>,
      %get3A_175 = vector.shape_cast %get3A_174 : vector<1x16xf32> to vector<16xf32>
      %mul3A_176 = arith.constant 8.000000e+00 : f32
      %mul3A_177 = vector.broadcast %mul3A_176 : f32 to vector<16xf32>
      %mul3A_178 = arith.mulf %get3A_175, %mul3A_177 : vector<16xf32>
      %mul3A_179 = arith.constant 2 : i32
      %mul3A_180 = arith.muli %mul3A_179, %scan3A_89 : i32
      %add3A_181 = arith.constant 1 : i32
      %add3A_182 = arith.addi %mul3A_180, %add3A_181 : i32
      %swap3A_183 = arith.index_cast %add3A_182 : i32 to index
      %swap3A_184 = arith.constant 0 : index
      %swap3A_185 = tpu.vector_load %arg12[%swap3A_183, %swap3A_184] {strides = array<i32>} : memref<128x64xf32, #tpu.memory_space<vmem>>, vector<1x16xf32>,
      %swap3A_186 = vector.shape_cast %swap3A_185 : vector<1x16xf32> to vector<16xf32>
      %swap3A_187 = vector.shape_cast %mul3A_178 : vector<16xf32> to vector<1x16xf32>
      tpu.vector_store %arg12[%swap3A_183, %swap3A_184], %swap3A_187 {strides = array<i32>} : memref<128x64xf32, #tpu.memory_space<vmem>>, vector<1x16xf32>,
      %mul3A_188 = arith.constant 2 : i32
      %mul3A_189 = arith.muli %mul3A_188, %scan3A_89 : i32
      %add3A_190 = arith.constant 1 : i32
      %add3A_191 = arith.addi %mul3A_189, %add3A_190 : i32
      %get3A_192 = arith.index_cast %add3A_191 : i32 to index
      %get3A_193 = arith.constant 16 : index
      %get3A_194 = tpu.vector_load %arg8[%get3A_192, %get3A_193] {strides = array<i32>} : memref<128x64xf32, #tpu.memory_space<vmem>>, vector<1x16xf32>,
      %get3A_195 = vector.shape_cast %get3A_194 : vector<1x16xf32> to vector<16xf32>
      %mul3A_196 = arith.constant 8.000000e+00 : f32
      %mul3A_197 = vector.broadcast %mul3A_196 : f32 to vector<16xf32>
      %mul3A_198 = arith.mulf %get3A_195, %mul3A_197 : vector<16xf32>
      %mul3A_199 = arith.constant 2 : i32
      %mul3A_200 = arith.muli %mul3A_199, %scan3A_89 : i32
      %add3A_201 = arith.constant 1 : i32
      %add3A_202 = arith.addi %mul3A_200, %add3A_201 : i32
      %swap3A_203 = arith.index_cast %add3A_202 : i32 to index
      %swap3A_204 = arith.constant 16 : index
      %swap3A_205 = tpu.vector_load %arg12[%swap3A_203, %swap3A_204] {strides = array<i32>} : memref<128x64xf32, #tpu.memory_space<vmem>>, vector<1x16xf32>,
      %swap3A_206 = vector.shape_cast %swap3A_205 : vector<1x16xf32> to vector<16xf32>
      %swap3A_207 = vector.shape_cast %mul3A_198 : vector<16xf32> to vector<1x16xf32>
      tpu.vector_store %arg12[%swap3A_203, %swap3A_204], %swap3A_207 {strides = array<i32>} : memref<128x64xf32, #tpu.memory_space<vmem>>, vector<1x16xf32>,
      %mul3A_208 = arith.constant 2 : i32
      %mul3A_209 = arith.muli %mul3A_208, %scan3A_89 : i32
      %add3A_210 = arith.constant 1 : i32
      %add3A_211 = arith.addi %mul3A_209, %add3A_210 : i32
      %get3A_212 = arith.index_cast %add3A_211 : i32 to index
      %get3A_213 = arith.constant 32 : index
      %get3A_214 = tpu.vector_load %arg8[%get3A_212, %get3A_213] {strides = array<i32>} : memref<128x64xf32, #tpu.memory_space<vmem>>, vector<1x16xf32>,
      %get3A_215 = vector.shape_cast %get3A_214 : vector<1x16xf32> to vector<16xf32>
      %mul3A_216 = arith.constant 8.000000e+00 : f32
      %mul3A_217 = vector.broadcast %mul3A_216 : f32 to vector<16xf32>
      %mul3A_218 = arith.mulf %get3A_215, %mul3A_217 : vector<16xf32>
      %mul3A_219 = arith.constant 2 : i32
      %mul3A_220 = arith.muli %mul3A_219, %scan3A_89 : i32
      %add3A_221 = arith.constant 1 : i32
      %add3A_222 = arith.addi %mul3A_220, %add3A_221 : i32
      %swap3A_223 = arith.index_cast %add3A_222 : i32 to index
      %swap3A_224 = arith.constant 32 : index
      %swap3A_225 = tpu.vector_load %arg12[%swap3A_223, %swap3A_224] {strides = array<i32>} : memref<128x64xf32, #tpu.memory_space<vmem>>, vector<1x16xf32>,
      %swap3A_226 = vector.shape_cast %swap3A_225 : vector<1x16xf32> to vector<16xf32>
      %swap3A_227 = vector.shape_cast %mul3A_218 : vector<16xf32> to vector<1x16xf32>
      tpu.vector_store %arg12[%swap3A_223, %swap3A_224], %swap3A_227 {strides = array<i32>} : memref<128x64xf32, #tpu.memory_space<vmem>>, vector<1x16xf32>,
      %mul3A_228 = arith.constant 2 : i32
      %mul3A_229 = arith.muli %mul3A_228, %scan3A_89 : i32
      %add3A_230 = arith.constant 1 : i32
      %add3A_231 = arith.addi %mul3A_229, %add3A_230 : i32
      %get3A_232 = arith.index_cast %add3A_231 : i32 to index
      %get3A_233 = arith.constant 48 : index
      %get3A_234 = tpu.vector_load %arg8[%get3A_232, %get3A_233] {strides = array<i32>} : memref<128x64xf32, #tpu.memory_space<vmem>>, vector<1x16xf32>,
      %get3A_235 = vector.shape_cast %get3A_234 : vector<1x16xf32> to vector<16xf32>
      %mul3A_236 = arith.constant 8.000000e+00 : f32
      %mul3A_237 = vector.broadcast %mul3A_236 : f32 to vector<16xf32>
      %mul3A_238 = arith.mulf %get3A_235, %mul3A_237 : vector<16xf32>
      %mul3A_239 = arith.constant 2 : i32
      %mul3A_240 = arith.muli %mul3A_239, %scan3A_89 : i32
      %add3A_241 = arith.constant 1 : i32
      %add3A_242 = arith.addi %mul3A_240, %add3A_241 : i32
      %swap3A_243 = arith.index_cast %add3A_242 : i32 to index
      %swap3A_244 = arith.constant 48 : index
      %swap3A_245 = tpu.vector_load %arg12[%swap3A_243, %swap3A_244] {strides = array<i32>} : memref<128x64xf32, #tpu.memory_space<vmem>>, vector<1x16xf32>,
      %swap3A_246 = vector.shape_cast %swap3A_245 : vector<1x16xf32> to vector<16xf32>
      %swap3A_247 = vector.shape_cast %mul3A_238 : vector<16xf32> to vector<1x16xf32>
      tpu.vector_store %arg12[%swap3A_243, %swap3A_244], %swap3A_247 {strides = array<i32>} : memref<128x64xf32, #tpu.memory_space<vmem>>, vector<1x16xf32>,
    }
    %scan3A_73 = arith.constant 64 : i32
    %run_scoped3A_74 = arith.constant 198 : i32
    "tpu.region"() ({
      %run_scoped3A_89 = tpu.sem_alloc : memref<!tpu.dma_semaphore, #tpu.memory_space<semaphore_mem>>
      %dma_start3A_90 = arith.constant 0 : i32
      %dma_start3A_91 = tpu.memref_slice %arg4[%run_scoped3A_74, %mul3A_2, %dma_start3A_90] : memref<200x4096x64xf32, #tpu.memory_space<hbm>> -> memref<1x128x64xf32, #tpu.memory_space<hbm>>
      %dma_start3A_92 = tpu.memref_squeeze %dma_start3A_91 : memref<1x128x64xf32, #tpu.memory_space<hbm>> -> memref<128x64xf32, #tpu.memory_space<hbm>>
      %dma_start3A_93 = arith.constant 0 : i32
      %dma_start3A_94 = tpu.memref_slice %arg4[%run_scoped3A_74, %mul3A_2, %dma_start3A_93] : memref<200x4096x64xf32, #tpu.memory_space<hbm>> -> memref<1x128x64xf32, #tpu.memory_space<hbm>>
      %dma_start3A_95 = tpu.memref_squeeze %dma_start3A_94 : memref<1x128x64xf32, #tpu.memory_space<hbm>> -> memref<128x64xf32, #tpu.memory_space<hbm>>
      tpu.enqueue_dma source(%arg12 : memref<128x64xf32, #tpu.memory_space<vmem>>) target(%dma_start3A_95 : memref<128x64xf32, #tpu.memory_space<hbm>>) target_semaphore(%run_scoped3A_89 : memref<!tpu.dma_semaphore, #tpu.memory_space<semaphore_mem>>)
      %dma_wait3A_96 = arith.constant 0 : i32
      %dma_wait3A_97 = tpu.memref_slice %arg4[%run_scoped3A_74, %mul3A_2, %dma_wait3A_96] : memref<200x4096x64xf32, #tpu.memory_space<hbm>> -> memref<1x128x64xf32, #tpu.memory_space<hbm>>
      %dma_wait3A_98 = tpu.memref_squeeze %dma_wait3A_97 : memref<1x128x64xf32, #tpu.memory_space<hbm>> -> memref<128x64xf32, #tpu.memory_space<hbm>>
      %dma_wait3A_99 = arith.constant 0 : i32
      %dma_wait3A_100 = tpu.memref_slice %arg4[%run_scoped3A_74, %mul3A_2, %dma_wait3A_99] : memref<200x4096x64xf32, #tpu.memory_space<hbm>> -> memref<1x128x64xf32, #tpu.memory_space<hbm>>
      %dma_wait3A_101 = tpu.memref_squeeze %dma_wait3A_100 : memref<1x128x64xf32, #tpu.memory_space<hbm>> -> memref<128x64xf32, #tpu.memory_space<hbm>>
      tpu.wait_dma2 semaphore(%run_scoped3A_89 : memref<!tpu.dma_semaphore, #tpu.memory_space<semaphore_mem>>) src(%arg12 : memref<128x64xf32, #tpu.memory_space<vmem>>) dst(%dma_wait3A_101 : memref<128x64xf32, #tpu.memory_space<hbm>>)
      tpu.yield
    }) : () -> ()
    %dma_wait3A_75 = arith.constant 199 : i32
    %dma_wait3A_76 = arith.constant 0 : i32
    %dma_wait3A_77 = tpu.memref_slice %arg5[%dma_wait3A_75, %dma_wait3A_76] : memref<200x128xi32, #tpu.memory_space<vmem>> -> memref<1x128xi32, #tpu.memory_space<vmem>>
    %dma_wait3A_78 = tpu.memref_squeeze %dma_wait3A_77 : memref<1x128xi32, #tpu.memory_space<vmem>> -> memref<128xi32, #tpu.memory_space<vmem>>
    %dma_wait3A_79 = arith.constant 0 : i32
    %dma_wait3A_80 = arith.constant 0 : i32
    %dma_wait3A_81 = tpu.memref_slice %arg3[%dma_wait3A_79, %dma_wait3A_80] : memref<1000000x64xf32, #tpu.memory_space<hbm>> -> memref<1000000x64xf32, #tpu.memory_space<hbm>>
    tpu.wait_indirect_dma semaphore(%arg17 : memref<!tpu.dma_semaphore, #tpu.memory_space<semaphore_mem>>) src(%dma_wait3A_81 : memref<1000000x64xf32, #tpu.memory_space<hbm>>) dst(%arg9 : memref<128x64xf32, #tpu.memory_space<vmem>>)
    %scan3A_82 = arith.constant 0 : i32
    %scan3A_83 = arith.constant 0 : i32
    %scan3A_84 = arith.constant 64 : i32
    %scan3A_85 = arith.addi %scan3A_83, %scan3A_84 : i32
    %scan3A_86 = arith.constant 1 : i32
    scf.for %scan3A_89 = %scan3A_83 to %scan3A_85 step %scan3A_86  : i32 {
      %mul3A_90 = arith.constant 2 : i32
      %mul3A_91 = arith.muli %mul3A_90, %scan3A_89 : i32
      %add3A_92 = arith.constant 0 : i32
      %add3A_93 = arith.addi %mul3A_91, %add3A_92 : i32
      %get3A = arith.index_cast %add3A_93 : i32 to index
      %get3A_94 = arith.constant 0 : index
      %get3A_95 = tpu.vector_load %arg9[%get3A, %get3A_94] {strides = array<i32>} : memref<128x64xf32, #tpu.memory_space<vmem>>, vector<1x16xf32>,
      %get3A_96 = vector.shape_cast %get3A_95 : vector<1x16xf32> to vector<16xf32>
      %mul3A_97 = arith.constant 8.000000e+00 : f32
      %mul3A_98 = vector.broadcast %mul3A_97 : f32 to vector<16xf32>
      %mul3A_99 = arith.mulf %get3A_96, %mul3A_98 : vector<16xf32>
      %mul3A_100 = arith.constant 2 : i32
      %mul3A_101 = arith.muli %mul3A_100, %scan3A_89 : i32
      %add3A_102 = arith.constant 0 : i32
      %add3A_103 = arith.addi %mul3A_101, %add3A_102 : i32
      %swap3A = arith.index_cast %add3A_103 : i32 to index
      %swap3A_104 = arith.constant 0 : index
      %swap3A_105 = tpu.vector_load %arg13[%swap3A, %swap3A_104] {strides = array<i32>} : memref<128x64xf32, #tpu.memory_space<vmem>>, vector<1x16xf32>,
      %swap3A_106 = vector.shape_cast %swap3A_105 : vector<1x16xf32> to vector<16xf32>
      %swap3A_107 = vector.shape_cast %mul3A_99 : vector<16xf32> to vector<1x16xf32>
      tpu.vector_store %arg13[%swap3A, %swap3A_104], %swap3A_107 {strides = array<i32>} : memref<128x64xf32, #tpu.memory_space<vmem>>, vector<1x16xf32>,
      %mul3A_108 = arith.constant 2 : i32
      %mul3A_109 = arith.muli %mul3A_108, %scan3A_89 : i32
      %add3A_110 = arith.constant 0 : i32
      %add3A_111 = arith.addi %mul3A_109, %add3A_110 : i32
      %get3A_112 = arith.index_cast %add3A_111 : i32 to index
      %get3A_113 = arith.constant 16 : index
      %get3A_114 = tpu.vector_load %arg9[%get3A_112, %get3A_113] {strides = array<i32>} : memref<128x64xf32, #tpu.memory_space<vmem>>, vector<1x16xf32>,
      %get3A_115 = vector.shape_cast %get3A_114 : vector<1x16xf32> to vector<16xf32>
      %mul3A_116 = arith.constant 8.000000e+00 : f32
      %mul3A_117 = vector.broadcast %mul3A_116 : f32 to vector<16xf32>
      %mul3A_118 = arith.mulf %get3A_115, %mul3A_117 : vector<16xf32>
      %mul3A_119 = arith.constant 2 : i32
      %mul3A_120 = arith.muli %mul3A_119, %scan3A_89 : i32
      %add3A_121 = arith.constant 0 : i32
      %add3A_122 = arith.addi %mul3A_120, %add3A_121 : i32
      %swap3A_123 = arith.index_cast %add3A_122 : i32 to index
      %swap3A_124 = arith.constant 16 : index
      %swap3A_125 = tpu.vector_load %arg13[%swap3A_123, %swap3A_124] {strides = array<i32>} : memref<128x64xf32, #tpu.memory_space<vmem>>, vector<1x16xf32>,
      %swap3A_126 = vector.shape_cast %swap3A_125 : vector<1x16xf32> to vector<16xf32>
      %swap3A_127 = vector.shape_cast %mul3A_118 : vector<16xf32> to vector<1x16xf32>
      tpu.vector_store %arg13[%swap3A_123, %swap3A_124], %swap3A_127 {strides = array<i32>} : memref<128x64xf32, #tpu.memory_space<vmem>>, vector<1x16xf32>,
      %mul3A_128 = arith.constant 2 : i32
      %mul3A_129 = arith.muli %mul3A_128, %scan3A_89 : i32
      %add3A_130 = arith.constant 0 : i32
      %add3A_131 = arith.addi %mul3A_129, %add3A_130 : i32
      %get3A_132 = arith.index_cast %add3A_131 : i32 to index
      %get3A_133 = arith.constant 32 : index
      %get3A_134 = tpu.vector_load %arg9[%get3A_132, %get3A_133] {strides = array<i32>} : memref<128x64xf32, #tpu.memory_space<vmem>>, vector<1x16xf32>,
      %get3A_135 = vector.shape_cast %get3A_134 : vector<1x16xf32> to vector<16xf32>
      %mul3A_136 = arith.constant 8.000000e+00 : f32
      %mul3A_137 = vector.broadcast %mul3A_136 : f32 to vector<16xf32>
      %mul3A_138 = arith.mulf %get3A_135, %mul3A_137 : vector<16xf32>
      %mul3A_139 = arith.constant 2 : i32
      %mul3A_140 = arith.muli %mul3A_139, %scan3A_89 : i32
      %add3A_141 = arith.constant 0 : i32
      %add3A_142 = arith.addi %mul3A_140, %add3A_141 : i32
      %swap3A_143 = arith.index_cast %add3A_142 : i32 to index
      %swap3A_144 = arith.constant 32 : index
      %swap3A_145 = tpu.vector_load %arg13[%swap3A_143, %swap3A_144] {strides = array<i32>} : memref<128x64xf32, #tpu.memory_space<vmem>>, vector<1x16xf32>,
      %swap3A_146 = vector.shape_cast %swap3A_145 : vector<1x16xf32> to vector<16xf32>
      %swap3A_147 = vector.shape_cast %mul3A_138 : vector<16xf32> to vector<1x16xf32>
      tpu.vector_store %arg13[%swap3A_143, %swap3A_144], %swap3A_147 {strides = array<i32>} : memref<128x64xf32, #tpu.memory_space<vmem>>, vector<1x16xf32>,
      %mul3A_148 = arith.constant 2 : i32
      %mul3A_149 = arith.muli %mul3A_148, %scan3A_89 : i32
      %add3A_150 = arith.constant 0 : i32
      %add3A_151 = arith.addi %mul3A_149, %add3A_150 : i32
      %get3A_152 = arith.index_cast %add3A_151 : i32 to index
      %get3A_153 = arith.constant 48 : index
      %get3A_154 = tpu.vector_load %arg9[%get3A_152, %get3A_153] {strides = array<i32>} : memref<128x64xf32, #tpu.memory_space<vmem>>, vector<1x16xf32>,
      %get3A_155 = vector.shape_cast %get3A_154 : vector<1x16xf32> to vector<16xf32>
      %mul3A_156 = arith.constant 8.000000e+00 : f32
      %mul3A_157 = vector.broadcast %mul3A_156 : f32 to vector<16xf32>
      %mul3A_158 = arith.mulf %get3A_155, %mul3A_157 : vector<16xf32>
      %mul3A_159 = arith.constant 2 : i32
      %mul3A_160 = arith.muli %mul3A_159, %scan3A_89 : i32
      %add3A_161 = arith.constant 0 : i32
      %add3A_162 = arith.addi %mul3A_160, %add3A_161 : i32
      %swap3A_163 = arith.index_cast %add3A_162 : i32 to index
      %swap3A_164 = arith.constant 48 : index
      %swap3A_165 = tpu.vector_load %arg13[%swap3A_163, %swap3A_164] {strides = array<i32>} : memref<128x64xf32, #tpu.memory_space<vmem>>, vector<1x16xf32>,
      %swap3A_166 = vector.shape_cast %swap3A_165 : vector<1x16xf32> to vector<16xf32>
      %swap3A_167 = vector.shape_cast %mul3A_158 : vector<16xf32> to vector<1x16xf32>
      tpu.vector_store %arg13[%swap3A_163, %swap3A_164], %swap3A_167 {strides = array<i32>} : memref<128x64xf32, #tpu.memory_space<vmem>>, vector<1x16xf32>,
      %mul3A_168 = arith.constant 2 : i32
      %mul3A_169 = arith.muli %mul3A_168, %scan3A_89 : i32
      %add3A_170 = arith.constant 1 : i32
      %add3A_171 = arith.addi %mul3A_169, %add3A_170 : i32
      %get3A_172 = arith.index_cast %add3A_171 : i32 to index
      %get3A_173 = arith.constant 0 : index
      %get3A_174 = tpu.vector_load %arg9[%get3A_172, %get3A_173] {strides = array<i32>} : memref<128x64xf32, #tpu.memory_space<vmem>>, vector<1x16xf32>,
      %get3A_175 = vector.shape_cast %get3A_174 : vector<1x16xf32> to vector<16xf32>
      %mul3A_176 = arith.constant 8.000000e+00 : f32
      %mul3A_177 = vector.broadcast %mul3A_176 : f32 to vector<16xf32>
      %mul3A_178 = arith.mulf %get3A_175, %mul3A_177 : vector<16xf32>
      %mul3A_179 = arith.constant 2 : i32
      %mul3A_180 = arith.muli %mul3A_179, %scan3A_89 : i32
      %add3A_181 = arith.constant 1 : i32
      %add3A_182 = arith.addi %mul3A_180, %add3A_181 : i32
      %swap3A_183 = arith.index_cast %add3A_182 : i32 to index
      %swap3A_184 = arith.constant 0 : index
      %swap3A_185 = tpu.vector_load %arg13[%swap3A_183, %swap3A_184] {strides = array<i32>} : memref<128x64xf32, #tpu.memory_space<vmem>>, vector<1x16xf32>,
      %swap3A_186 = vector.shape_cast %swap3A_185 : vector<1x16xf32> to vector<16xf32>
      %swap3A_187 = vector.shape_cast %mul3A_178 : vector<16xf32> to vector<1x16xf32>
      tpu.vector_store %arg13[%swap3A_183, %swap3A_184], %swap3A_187 {strides = array<i32>} : memref<128x64xf32, #tpu.memory_space<vmem>>, vector<1x16xf32>,
      %mul3A_188 = arith.constant 2 : i32
      %mul3A_189 = arith.muli %mul3A_188, %scan3A_89 : i32
      %add3A_190 = arith.constant 1 : i32
      %add3A_191 = arith.addi %mul3A_189, %add3A_190 : i32
      %get3A_192 = arith.index_cast %add3A_191 : i32 to index
      %get3A_193 = arith.constant 16 : index
      %get3A_194 = tpu.vector_load %arg9[%get3A_192, %get3A_193] {strides = array<i32>} : memref<128x64xf32, #tpu.memory_space<vmem>>, vector<1x16xf32>,
      %get3A_195 = vector.shape_cast %get3A_194 : vector<1x16xf32> to vector<16xf32>
      %mul3A_196 = arith.constant 8.000000e+00 : f32
      %mul3A_197 = vector.broadcast %mul3A_196 : f32 to vector<16xf32>
      %mul3A_198 = arith.mulf %get3A_195, %mul3A_197 : vector<16xf32>
      %mul3A_199 = arith.constant 2 : i32
      %mul3A_200 = arith.muli %mul3A_199, %scan3A_89 : i32
      %add3A_201 = arith.constant 1 : i32
      %add3A_202 = arith.addi %mul3A_200, %add3A_201 : i32
      %swap3A_203 = arith.index_cast %add3A_202 : i32 to index
      %swap3A_204 = arith.constant 16 : index
      %swap3A_205 = tpu.vector_load %arg13[%swap3A_203, %swap3A_204] {strides = array<i32>} : memref<128x64xf32, #tpu.memory_space<vmem>>, vector<1x16xf32>,
      %swap3A_206 = vector.shape_cast %swap3A_205 : vector<1x16xf32> to vector<16xf32>
      %swap3A_207 = vector.shape_cast %mul3A_198 : vector<16xf32> to vector<1x16xf32>
      tpu.vector_store %arg13[%swap3A_203, %swap3A_204], %swap3A_207 {strides = array<i32>} : memref<128x64xf32, #tpu.memory_space<vmem>>, vector<1x16xf32>,
      %mul3A_208 = arith.constant 2 : i32
      %mul3A_209 = arith.muli %mul3A_208, %scan3A_89 : i32
      %add3A_210 = arith.constant 1 : i32
      %add3A_211 = arith.addi %mul3A_209, %add3A_210 : i32
      %get3A_212 = arith.index_cast %add3A_211 : i32 to index
      %get3A_213 = arith.constant 32 : index
      %get3A_214 = tpu.vector_load %arg9[%get3A_212, %get3A_213] {strides = array<i32>} : memref<128x64xf32, #tpu.memory_space<vmem>>, vector<1x16xf32>,
      %get3A_215 = vector.shape_cast %get3A_214 : vector<1x16xf32> to vector<16xf32>
      %mul3A_216 = arith.constant 8.000000e+00 : f32
      %mul3A_217 = vector.broadcast %mul3A_216 : f32 to vector<16xf32>
      %mul3A_218 = arith.mulf %get3A_215, %mul3A_217 : vector<16xf32>
      %mul3A_219 = arith.constant 2 : i32
      %mul3A_220 = arith.muli %mul3A_219, %scan3A_89 : i32
      %add3A_221 = arith.constant 1 : i32
      %add3A_222 = arith.addi %mul3A_220, %add3A_221 : i32
      %swap3A_223 = arith.index_cast %add3A_222 : i32 to index
      %swap3A_224 = arith.constant 32 : index
      %swap3A_225 = tpu.vector_load %arg13[%swap3A_223, %swap3A_224] {strides = array<i32>} : memref<128x64xf32, #tpu.memory_space<vmem>>, vector<1x16xf32>,
      %swap3A_226 = vector.shape_cast %swap3A_225 : vector<1x16xf32> to vector<16xf32>
      %swap3A_227 = vector.shape_cast %mul3A_218 : vector<16xf32> to vector<1x16xf32>
      tpu.vector_store %arg13[%swap3A_223, %swap3A_224], %swap3A_227 {strides = array<i32>} : memref<128x64xf32, #tpu.memory_space<vmem>>, vector<1x16xf32>,
      %mul3A_228 = arith.constant 2 : i32
      %mul3A_229 = arith.muli %mul3A_228, %scan3A_89 : i32
      %add3A_230 = arith.constant 1 : i32
      %add3A_231 = arith.addi %mul3A_229, %add3A_230 : i32
      %get3A_232 = arith.index_cast %add3A_231 : i32 to index
      %get3A_233 = arith.constant 48 : index
      %get3A_234 = tpu.vector_load %arg9[%get3A_232, %get3A_233] {strides = array<i32>} : memref<128x64xf32, #tpu.memory_space<vmem>>, vector<1x16xf32>,
      %get3A_235 = vector.shape_cast %get3A_234 : vector<1x16xf32> to vector<16xf32>
      %mul3A_236 = arith.constant 8.000000e+00 : f32
      %mul3A_237 = vector.broadcast %mul3A_236 : f32 to vector<16xf32>
      %mul3A_238 = arith.mulf %get3A_235, %mul3A_237 : vector<16xf32>
      %mul3A_239 = arith.constant 2 : i32
      %mul3A_240 = arith.muli %mul3A_239, %scan3A_89 : i32
      %add3A_241 = arith.constant 1 : i32
      %add3A_242 = arith.addi %mul3A_240, %add3A_241 : i32
      %swap3A_243 = arith.index_cast %add3A_242 : i32 to index
      %swap3A_244 = arith.constant 48 : index
      %swap3A_245 = tpu.vector_load %arg13[%swap3A_243, %swap3A_244] {strides = array<i32>} : memref<128x64xf32, #tpu.memory_space<vmem>>, vector<1x16xf32>,
      %swap3A_246 = vector.shape_cast %swap3A_245 : vector<1x16xf32> to vector<16xf32>
      %swap3A_247 = vector.shape_cast %mul3A_238 : vector<16xf32> to vector<1x16xf32>
      tpu.vector_store %arg13[%swap3A_243, %swap3A_244], %swap3A_247 {strides = array<i32>} : memref<128x64xf32, #tpu.memory_space<vmem>>, vector<1x16xf32>,
    }
    %scan3A_87 = arith.constant 64 : i32
    %run_scoped3A_88 = arith.constant 199 : i32
    "tpu.region"() ({
      %run_scoped3A_89 = tpu.sem_alloc : memref<!tpu.dma_semaphore, #tpu.memory_space<semaphore_mem>>
      %dma_start3A_90 = arith.constant 0 : i32
      %dma_start3A_91 = tpu.memref_slice %arg4[%run_scoped3A_88, %mul3A_2, %dma_start3A_90] : memref<200x4096x64xf32, #tpu.memory_space<hbm>> -> memref<1x128x64xf32, #tpu.memory_space<hbm>>
      %dma_start3A_92 = tpu.memref_squeeze %dma_start3A_91 : memref<1x128x64xf32, #tpu.memory_space<hbm>> -> memref<128x64xf32, #tpu.memory_space<hbm>>
      %dma_start3A_93 = arith.constant 0 : i32
      %dma_start3A_94 = tpu.memref_slice %arg4[%run_scoped3A_88, %mul3A_2, %dma_start3A_93] : memref<200x4096x64xf32, #tpu.memory_space<hbm>> -> memref<1x128x64xf32, #tpu.memory_space<hbm>>
      %dma_start3A_95 = tpu.memref_squeeze %dma_start3A_94 : memref<1x128x64xf32, #tpu.memory_space<hbm>> -> memref<128x64xf32, #tpu.memory_space<hbm>>
      tpu.enqueue_dma source(%arg13 : memref<128x64xf32, #tpu.memory_space<vmem>>) target(%dma_start3A_95 : memref<128x64xf32, #tpu.memory_space<hbm>>) target_semaphore(%run_scoped3A_89 : memref<!tpu.dma_semaphore, #tpu.memory_space<semaphore_mem>>)
      %dma_wait3A_96 = arith.constant 0 : i32
      %dma_wait3A_97 = tpu.memref_slice %arg4[%run_scoped3A_88, %mul3A_2, %dma_wait3A_96] : memref<200x4096x64xf32, #tpu.memory_space<hbm>> -> memref<1x128x64xf32, #tpu.memory_space<hbm>>
      %dma_wait3A_98 = tpu.memref_squeeze %dma_wait3A_97 : memref<1x128x64xf32, #tpu.memory_space<hbm>> -> memref<128x64xf32, #tpu.memory_space<hbm>>
      %dma_wait3A_99 = arith.constant 0 : i32
      %dma_wait3A_100 = tpu.memref_slice %arg4[%run_scoped3A_88, %mul3A_2, %dma_wait3A_99] : memref<200x4096x64xf32, #tpu.memory_space<hbm>> -> memref<1x128x64xf32, #tpu.memory_space<hbm>>
      %dma_wait3A_101 = tpu.memref_squeeze %dma_wait3A_100 : memref<1x128x64xf32, #tpu.memory_space<hbm>> -> memref<128x64xf32, #tpu.memory_space<hbm>>
      tpu.wait_dma2 semaphore(%run_scoped3A_89 : memref<!tpu.dma_semaphore, #tpu.memory_space<semaphore_mem>>) src(%arg13 : memref<128x64xf32, #tpu.memory_space<vmem>>) dst(%dma_wait3A_101 : memref<128x64xf32, #tpu.memory_space<hbm>>)
      tpu.yield
    }) : () -> ()
    return
  }
}

</mosaic_0001>

<sc_bundles>
// kernel: kernel.3.cloned.1.call-start
scs
__scs_entry_jumppad:
0x0: {  	(pc) =	sbr.rel $0x88, $3  }
0x1: {  	(tag) =	ssettag $0x0;
	lr =	simm.s32 $0x1  }
0x2: {  	[smem:$0x3F9F] =	sst lr;
	_ =	strace $0xD0000000  }
0x3: {  	_ = 	snop  }
0x4: {  	_ = 	snop  }
0x5: {  	_ = 	snop  }
0x6: {  	_ = 	snop  }
0x7: {  	_ = 	snop  }
__scs_overlays_trampoline_lowered:
0x8: {  	[smem:$0x3FAE] =	sst s0  }
0x9: {  	[smem:$0x3FAF] =	sst s1  }
0xa: {  	[smem:$0x3FB0] =	sst s2  }
0xb: {  	[smem:$0x3FB1] =	sst s3  }
0xc: {  	[smem:$0x3FB2] =	sst s4  }
0xd: {  	[smem:$0x3FB3] =	sst s5  }
0xe: {  	[smem:$0x3FB4] =	sst s6  }
0xf: {  	[smem:$0x3FB5] =	sst s7  }
0x10: {  	[smem:$0x3FB6] =	sst s8  }
0x11: {  	[smem:$0x3FB7] =	sst s9;
	s0 =	simm.s32 @!p0 $0x0  }
0x12: {  	s1 =	sld [smem:$0x3F9D];
	s0 =	simm.s32 @p0 $0x1  }
0x13: {  	[smem:$0x3FB8] =	sst s0;
	s0 =	simm.s32 @!p1 $0x0  }
0x14: {  	s2 =	sld [smem:$0x3F9C];
	s0 =	simm.s32 @p1 $0x1  }
0x15: {  	[smem:$0x3FB9] =	sst s0;
	s0 =	simm.s32 @!p2 $0x0  }
0x16: {  	s3 =	sld [smem:$0x3FDB];
	s0 =	simm.s32 @p2 $0x1  }
0x17: {  	s4 =	simm.s32 $0x1BF5;
	[smem:$0x3FBB] =	sst s0  }
0x18: {  	s0 =	sld [smem:$0x3F9E];
	_ =	swait.ge [sflag:s4], $0x0  }
0x19: {  	s7 =	sld [smem:$0x3F9F]  }
0x1a: {  	s8 =	sadd.s32 $0xFFFFE003, lr  }
0x1b: {  	s9 =	sadd.s32 $0xFFFFFEF7, lr;
	s5 =	simm.s32 $0xFFFFFFFF;
	p2 =	slt.u32 s8, $0xFFFFF086  }
0x1c: {  	p1 =	slt.u32 s9, $0xF7A;
	s5 =	simm.s32 @!p2 $0x0  }
0x1d: {  	s5 =	simm.s32 @p1 $0x1;
	p0 =	seq.s32 s7, s2  }
0x1e: {  	s7 =	smul.u32 @!p0 $0xF7A, s2;
	p2 =	seq.s32 @!p0 s5, $0x0  }
0x1f: {  	s9 =	smul.u32 $0xF7A, s1;
	s8 =	simm.s32 @!p0 $0x1BF5;
	p2 =	por !p2, p0  }
0x20: {  	[sflag:s8] =	ssyncset.s32 @!p0 $0xFFFFF086;
	s6 =	sadd.s32 @!p0 s3, s7;
	s7 =	simm.s32 @!p0 $0x108  }
0x21: {  	s3 =	sadd.s32 s3, s9;
	s6 =	sadd.s32 @!p0 $0x88, s6;
	s7 =	simm.s32 @p2 $0x1082  }
0x22: {  	[simem:s7], [sflag:s8] =	dma.local @!p0 [hbm:s6], $0xF7A  }
0x23: {  	s9 =	sor.u32 $0xD0000000, s2;
	s6 =	simm.s32 $0x108;
	_ =	swait.ge @!p0 [sflag:s8], $0x0  }
0x24: {  	s3 =	sadd.s32 $0x88, s3;
	s6 =	simm.s32 @!p1 $0x1082;
	[sflag:s4] =	ssyncset.s32 $0xFFFFF086  }
0x25: {  	[simem:s6], [sflag:s4] =	dma.local [hbm:s3], $0xF7A  }
0x26: {  	[smem:$0x3F9F] =	sst s1;
	(tag) =	ssettag s2;
	_ =	strace s9  }
0x27: {  	s1 =	sld [smem:$0x3FAF]  }
0x28: {  	s2 =	sld [smem:$0x3FB0]  }
0x29: {  	s4 =	sld [smem:$0x3FB2]  }
0x2a: {  	p0 =	seq.s32 s5, $0x0;
	s5 =	sld [smem:$0x3FB3]  }
0x2b: {  	s6 =	sld [smem:$0x3FB4]  }
0x2c: {  	s7 =	sld [smem:$0x3FB5]  }
0x2d: {  	s3 =	simm.s32 $0x108;
	s8 =	sld [smem:$0x3FB6]  }
0x2e: {  	s3 =	simm.s32 @!p0 $0x1082;
	s9 =	sld [smem:$0x3FB7]  }
0x2f: {  	lr =	sadd.s32 s0, s3;
	s0 =	sld [smem:$0x3FAE]  }
0x30: {  	s3 =	sld [smem:$0x3FB1]  }
0x31: {  	[smem:$0x3FBA] =	sst s10  }
0x32: {  	s10 =	sld [smem:$0x3FB8];
	_ =	sdelay $0x3  }
0x33: {  	p0 =	seq.s32 s10, $0x1;
	s10 =	sld [smem:$0x3FBA];
	_ =	sdelay $0x3  }
0x34: {  	[smem:$0x3FBA] =	sst s10  }
0x35: {  	s10 =	sld [smem:$0x3FB9];
	_ =	sdelay $0x3  }
0x36: {  	p1 =	seq.s32 s10, $0x1;
	s10 =	sld [smem:$0x3FBA];
	_ =	sdelay $0x3  }
0x37: {  	[smem:$0x3FBA] =	sst s10  }
0x38: {  	s10 =	sld [smem:$0x3FBB]  }
0x39: {  	_ = 	snop;
	(pc) =	sbr.ind lr, $3  }
0x3a: {  	_ = 	snop  }
0x3b: {  	_ = 	snop  }
0x3c: {  	p2 =	seq.s32 s10, $0x1;
	s10 =	sld [smem:$0x3FBA]  }
0x3d: {  	_ =	shalt  }
0x3e: {  	_ =	shalt  }
0x3f: {  	_ =	shalt  }
0x40: {  	_ =	shalt  }
0x41: {  	_ =	shalt  }
0x42: {  	_ =	shalt  }
0x43: {  	_ =	shalt  }
0x44: {  	_ =	shalt  }
0x45: {  	_ =	shalt  }
0x46: {  	_ =	shalt  }
0x47: {  	_ =	shalt  }
0x48: {  	_ =	shalt  }
0x49: {  	_ =	shalt  }
0x4a: {  	_ =	shalt  }
0x4b: {  	_ =	shalt  }
0x4c: {  	_ =	shalt  }
0x4d: {  	_ =	shalt  }
0x4e: {  	_ =	shalt  }
0x4f: {  	_ =	shalt  }
0x50: {  	_ =	shalt  }
0x51: {  	_ =	shalt  }
0x52: {  	_ =	shalt  }
0x53: {  	_ =	shalt  }
0x54: {  	_ =	shalt  }
0x55: {  	_ =	shalt  }
0x56: {  	_ =	shalt  }
0x57: {  	_ =	shalt  }
0x58: {  	_ =	shalt  }
0x59: {  	_ =	shalt  }
0x5a: {  	_ =	shalt  }
0x5b: {  	_ =	shalt  }
0x5c: {  	_ =	shalt  }
0x5d: {  	_ =	shalt  }
0x5e: {  	_ =	shalt  }
0x5f: {  	_ =	shalt  }
0x60: {  	_ =	shalt  }
0x61: {  	_ =	shalt  }
0x62: {  	_ =	shalt  }
0x63: {  	_ =	shalt  }
0x64: {  	_ =	shalt  }
0x65: {  	_ =	shalt  }
0x66: {  	_ =	shalt  }
0x67: {  	_ =	shalt  }
0x68: {  	_ =	shalt  }
0x69: {  	_ =	shalt  }
0x6a: {  	_ =	shalt  }
0x6b: {  	_ =	shalt  }
0x6c: {  	_ =	shalt  }
0x6d: {  	_ =	shalt  }
0x6e: {  	_ =	shalt  }
0x6f: {  	_ =	shalt  }
0x70: {  	_ =	shalt  }
0x71: {  	_ =	shalt  }
0x72: {  	_ =	shalt  }
0x73: {  	_ =	shalt  }
0x74: {  	_ =	shalt  }
0x75: {  	_ =	shalt  }
0x76: {  	_ =	shalt  }
0x77: {  	_ =	shalt  }
0x78: {  	_ =	shalt  }
0x79: {  	_ =	shalt  }
0x7a: {  	_ =	shalt  }
0x7b: {  	_ =	shalt  }
0x7c: {  	_ =	shalt  }
0x7d: {  	_ =	shalt  }
0x7e: {  	_ =	shalt  }
0x7f: {  	_ =	shalt  }
0x80: {  	_ =	shalt  }
0x81: {  	_ =	shalt  }
0x82: {  	_ =	shalt  }
0x83: {  	_ =	shalt  }
0x84: {  	_ =	shalt  }
0x85: {  	_ =	shalt  }
0x86: {  	_ =	shalt  }
0x87: {  	_ =	shalt  }
.Lfunc_end0:
.L_simem_size_0:
called_computation.1_lowered:
.L_overlay_start_0:
0x88: {  	s2 =	sld [smem:$0x3FD9]  }
0x89: {  	s3 =	sld [smem:$0x3FFE];
	_ =	sdelay $0x1  }
0x8a: {  	s1 =	srdreg.scid  }
0x8b: {  	s0 =	sand.u32 $0x1, s1  }
0x8c: {  	s17 =	sshll.u32 s0, $0xA;
	s2 =	sadd.s32 s3, s2  }
0x8d: {  	s2 =	sadd.s32 s2, s17  }
0x8e: {  	[smem:$0x3FC6] =	sst s2  }
0x8f: {  	_ = 	snop  }
0x90: {  	s2 =	sld [smem:$0x3FD0];
	(tm) =	ssettm $0x1  }
0x91: {  	s18 =	sld [smem:$0x3FFB];
	_ =	sdelay $0x3  }
0x92: {  	_ =	strace s18  }
0x93: {  	s3 =	sld [smem:$0x3FFC];
	_ =	sdelay $0x3  }
0x94: {  	_ =	strace s3  }
0x95: {  	s3 =	sld [smem:$0x3FFD];
	_ =	sdelay $0x3  }
0x96: {  	_ =	strace s3  }
0x97: {  	_ =	strace $0x8FFFFFFF  }
0x98: {  	s19 =	sld [smem:$0x3FDB];
	_ =	sdelay $0x1  }
0x99: {  	s4 =	simm.s32 $_scs_section_size  }
0x9a: {  	s5 =	simm.s32 $_size__tile_overlayer_lowered;
	s6 =	simm.s32 $_tile_overlayer_lowered  }
0x9b: {  	s22 =	simm.s32 $0x1BFF;
	s21 =	sshll.u32 s6, $0x1;
	s3 =	sadd.s32 s4, s19  }
0x9c: {  	s7 =	simm.s32 $0x0;
	s20 =	sshll.u32 s5, $0x1;
	s5 =	sadd.s32 s21, s3  }
0x9d: {  	[timem:s7], [sflag:s22] =	dma.local [hbm:s5], s20  }
0x9e: {  	_ =	swait.ge [sflag:s22], s20  }
0x9f: {  	s4 =	ssub.s32 $0x0, s20;
	[sflag:s22] =	ssyncset.done $0x0  }
0xa0: {  	[sflag:s22] =	ssyncadd.s32 s4;
	_ =	sdelay $0x1  }
0xa1: {  	s23 =	simm.s32 $0x1B8B  }
0xa2: {  	_ =	swait.ge [sflag:s23], $0x1  }
0xa3: {  	[sflag:s23] =	ssyncset.done $0x0  }
0xa4: {  	s25 =	simm.s32 $0x1B8E;
	s24 =	sld [smem:$0x3FFE];
	[sflag:s23] =	ssyncadd.s32 $0xFFFFFFFF  }
0xa5: {  	s26 =	simm.s32 $execute0_lowered;
	[smem:$0x3FD2] =	sst s25  }
0xa6: {  	s5 =	sshll.u32 s26, $0x1;
	_ =	strace $0x80000046;
	[dreg:$0x1] =	wrdreg $0xFFFFFFFF  }
0xa7: {  	s28 =	simm.s32 $_size_execute0_lowered;
	s3 =	sadd.s32 s3, s5;
	[dreg:$0x0] =	wrdreg $0x0  }
0xa8: {  	s5 =	sshll.u32 s28, $0x1;
	[dreg:$0x2] =	wrdreg s3  }
0xa9: {  	[dreg:$0x3] =	wrdreg s5  }
0xaa: {  	[dreg:$0x4] =	wrdreg $0xC0  }
0xab: {  	_ =	task [dreg:s7], $0x5FFFF  }
0xac: {  	[dreg:$0x1] =	wrdreg $0xFFFFFFFF  }
0xad: {  	[dreg:$0x0] =	wrdreg $0x60  }
0xae: {  	[dreg:$0x2] =	wrdreg s24  }
0xaf: {  	[dreg:$0x3] =	wrdreg s2  }
0xb0: {  	[dreg:$0x4] =	wrdreg $0x9  }
0xb1: {  	_ =	task.clear_ibuf [dreg:s7], $0x5FFFF;
	_ =	strace $0x90000046  }
0xb2: {  	s29 =	simm.s32 $0x9;
	_ =	strace $0x80000048  }
0xb3: {  	_ =	swait.ge [sflag:s29], $0x1  }
0xb4: {  	[sflag:s29] =	ssyncadd.s32 $0xFFFFFFFF  }
0xb5: {  	_ =	strace $0x90000048  }
0xb6: {  	_ =	sfence  }
0xb7: {  	s30 =	sld [smem:$0x0];
	_ =	sdelay $0x2  }
0xb8: {  	s31 =	sshll.u32 s1, $0xD;
	s1 =	sshrl.u32 s1, $0x2  }
0xb9: {  	s3 =	sand.u32 $0x4000, s31;
	s1 =	sadd.s32 s1, s30  }
0xba: {  	s0 =	sor.u32 s3, s0;
	s1 =	sshll.u32 s1, $0x11  }
0xbb: {  	s0 =	sor.u32 s1, s0  }
0xbc: {  	s0 =	sadd.s32 $0x8F2B, s0  }
0xbd: {  	[sflag:s0] =	ssyncadd.remote.s32 $0x1  }
0xbe: {  	_ =	sfence.sel $0xFFFF  }
0xbf: {  	[dreg:$0x0] =	wrdreg $0xFFFFFFFF;
	(pc) =	sbr.abs _section_cstart, $3  }
0xc0: {  	[dreg:$0x1] =	wrdreg $0xFFFFFFFF  }
0xc1: {  	_ =	task.clear_ibuf [dreg:s7], $0x2FFFF;
	_ =	strace $0x9FFFFFFF  }
0xc2: {  	(tm) =	ssettm $0x7FFFFFFF  }
0xc3: {  	_ =	shalt  }
tec
execute0_lowered:
.L_overlay_start_1:
0x0: {  	(tag) =	ssettag $0x1  }
0x1: {  	s0 =	rddreg [dreg:$0x0]  }
0x2: {  	s2 =	rddreg [dreg:$0x1]  }
0x3: {  	s1 =	srdreg.scid;
	s4 =	stileid.u32  }
0x4: {  	s3 =	simm.s32 $0x0;
	s15 =	simm.s32 $0x80;
	s17 =	simm.s32 $0x5  }
0x5: {  	s18 =	simm.s32 $0x6400;
	s19 =	simm.s32 $0x8400;
	s21 =	simm.s32 $0xA400  }
0x6: {  	s28 =	simm.s32 $0x10400;
	s29 =	simm.s32 $0x3;
	s30 =	simm.s32 $0x12400  }
0x7: {  	s31 =	simm.s32 $0x4;
	s1 =	sand.u32 $0x1, s1;
	s4 =	sshll.u32 s4, $0x8  }
0x8: {  	[smem:$0x7FF] =	sst s3;
	s7 =	sadd.s32 $0x8000, s2;
	s5 =	sshll.u32 s1, $0x7  }
0x9: {  	s8 =	sadd.s32 $0x10000, s2;
	s9 =	sadd.s32 $0x18000, s2;
	s5 =	sor.u32 s5, s4  }
0xa: {  	_ =	strace $0x80000047;
	s1 =	ssub.s32 $0x2, s1;
	s4 =	sshrl.u32 s5, $0x3  }
0xb: {  	s22 =	sshrl.u32 s1, $0x1;
	s6 =	sadd.s32 s4, s0;
	s4 =	sadd.s32 $0xF42E00, s0  }
0xc: {  	s0 =	ssub.s32 s1, s22;
	s1 =	simm.s32 $0x0;
	s23 =	sadd.s32 $0xA00, s6  }
0xd: {  	s6 =	sshll.u32 s5, $0x3;
	s14 =	smax.u32 s0, $0x1;
	s0 =	simm.s32 $0x14400  }
0xe: {  	[dreg:$0x3] =	wrdreg s23;
	s24 =	sadd.s32 s6, s2;
	s23 =	simm.s32 $0xC400  }
0xf: {  	s25 =	sadd.s32 $0x620000, s24;
	s26 =	sadd.s32 $0x628000, s24;
	s12 =	sadd.s32 $0x630000, s24  }
0x10: {  	s13 =	sadd.s32 $0x638000, s24;
	s24 =	simm.s32 $0x1;
	[dreg:$0x4] =	wrdreg s25  }
0x11: {  	[dreg:$0x5] =	wrdreg s26;
	s25 =	simm.s32 $0xE400;
	s26 =	simm.s32 $0x2  }
.LBB2_1:
0x12: {  	s5 =	rddreg [dreg:$0x3];
	s10 =	simm.s32 $0x1000  }
0x13: {  	[tilespmem:s3], [sflag:$0x5] =	stream.strided.gather [hbm4b:s5+s15], $0x6400, s10, s15, $0x38;
	[tilespmem:$0x16400] =	vst v63  }
0x14: {  	_ =	swait.ge [sflag:s17], $0x6400  }
0x15: {  	[sflag:s17] =	ssyncset.done $0x0  }
0x16: {  	[sflag:s17] =	ssyncadd.s32 $0xFFFF9C00  }
0x17: {  	[tilespmem:s18], [sflag:$0x1] =	stream.indirect.gather [hbm4b:s4+s15], $0x40, s3, s15, $0xb8;
	[tilespmem:$0x16400] =	vst v63  }
0x18: {  	_ = 	snop  }
0x19: {  	[tilespmem:s19], [sflag:$0x2] =	stream.indirect.gather [hbm4b:s4+s15], $0x40, s15, s15, $0xb8;
	[tilespmem:$0x16400] =	vst v63  }
0x1a: {  	s20 =	simm.s32 $0x100  }
0x1b: {  	[tilespmem:s21], [sflag:$0x3] =	stream.indirect.gather [hbm4b:s4+s15], $0x40, s20, s15, $0xb8;
	[tilespmem:$0x16400] =	vst v63  }
0x1c: {  	s22 =	simm.s32 $0x180;
	s16 =	simm.s32 $0x0  }
0x1d: {  	[tilespmem:s23], [sflag:$0x4] =	stream.indirect.gather [hbm4b:s4+s15], $0x40, s22, s15, $0xb8;
	[tilespmem:$0x16400] =	vst v63  }
.LBB2_2:
0x1e: {  	_ =	swait.ge [sflag:s24], $0x2000  }
0x1f: {  	[sflag:s24] =	ssyncset.done $0x0  }
0x20: {  	s5 =	simm.s32 $0x0;
	[sflag:s24] =	ssyncadd.s32 $0xFFFFE000  }
0x21: {  	v1 =	vld [tilespmem:s5+$0x6470]  }
0x22: {  	v5 =	vld [tilespmem:s5+$0x6400]  }
0x23: {  	v6 =	vld [tilespmem:s5+$0x6410]  }
0x24: {  	v4 =	vld [tilespmem:s5+$0x6420]  }
0x25: {  	v3 =	vld [tilespmem:s5+$0x6430]  }
0x26: {  	v0 =	vld [tilespmem:s5+$0x6440];
	v7 =	vmul.f32 $8.000000000e+00, v1  }
0x27: {  	v1 =	vld [tilespmem:s5+$0x6450];
	v5 =	vmul.f32 $8.000000000e+00, v5  }
0x28: {  	s22 =	simm.s32 $0x80;
	s10 =	simm.s32 $0x400;
	v2 =	vld [tilespmem:s5+$0x6460];
	v6 =	vmul.f32 $8.000000000e+00, v6;
	[tilespmem:s5+$0xE470] =	vst v7  }
.LBB2_3:
0x29: {  	p0 =	sne.s32 s10, $0x7E00;
	v7 =	vld [tilespmem:s22+$0x6470];
	[tilespmem:s5+$0xE400] =	vst v5;
	v4 =	vmul.f32 $8.000000000e+00, v4  }
0x2a: {  	v5 =	vld [tilespmem:s22+$0x6400];
	[tilespmem:s5+$0xE410] =	vst v6;
	v3 =	vmul.f32 $8.000000000e+00, v3  }
0x2b: {  	v6 =	vld [tilespmem:s22+$0x6410];
	[tilespmem:s5+$0xE420] =	vst v4;
	v0 =	vmul.f32 $8.000000000e+00, v0  }
.Ltmp0:
0x2c: {  	v4 =	vld [tilespmem:s22+$0x6420];
	[tilespmem:s5+$0xE430] =	vst v3;
	v1 =	vmul.f32 $8.000000000e+00, v1;
	(pc) =	sbr.rel @p0 .LBB2_3-.Ltmp0, $4  }
0x2d: {  	v3 =	vld [tilespmem:s22+$0x6430];
	[tilespmem:s5+$0xE440] =	vst v0;
	v2 =	vmul.f32 $8.000000000e+00, v2  }
0x2e: {  	v0 =	vld [tilespmem:s22+$0x6440];
	v7 =	vmul.f32 $8.000000000e+00, v7;
	[tilespmem:s5+$0xE450] =	vst v1  }
0x2f: {  	v5 =	vmul.f32 $8.000000000e+00, v5;
	v1 =	vld [tilespmem:s22+$0x6450];
	[tilespmem:s5+$0xE460] =	vst v2;
	s5 =	smov.u32 s22  }
0x30: {  	s22 =	sshra.s32 s10, $0x2;
	s10 =	sadd.s32 $0x200, s10;
	v6 =	vmul.f32 $8.000000000e+00, v6;
	v2 =	vld [tilespmem:s5+$0x6460];
	[tilespmem:s5+$0xE470] =	vst v7  }
0x31: {  	v7 =	vld [tilespmem:s22+$0x6470];
	[tilespmem:s5+$0xE400] =	vst v5;
	v4 =	vmul.f32 $8.000000000e+00, v4  }
0x32: {  	v5 =	vld [tilespmem:s22+$0x6400];
	[tilespmem:s5+$0xE410] =	vst v6;
	v3 =	vmul.f32 $8.000000000e+00, v3  }
0x33: {  	v6 =	vld [tilespmem:s22+$0x6410];
	[tilespmem:s5+$0xE420] =	vst v4;
	v0 =	vmul.f32 $8.000000000e+00, v0  }
0x34: {  	v4 =	vld [tilespmem:s22+$0x6420];
	[tilespmem:s5+$0xE430] =	vst v3;
	v1 =	vmul.f32 $8.000000000e+00, v1  }
0x35: {  	v3 =	vld [tilespmem:s22+$0x6430];
	[tilespmem:s5+$0xE440] =	vst v0;
	v2 =	vmul.f32 $8.000000000e+00, v2  }
0x36: {  	v0 =	vld [tilespmem:s22+$0x6440];
	[tilespmem:s5+$0xE450] =	vst v1;
	v7 =	vmul.f32 $8.000000000e+00, v7  }
0x37: {  	v1 =	vld [tilespmem:s22+$0x6450];
	[tilespmem:s5+$0xE460] =	vst v2;
	v2 =	vmul.f32 $8.000000000e+00, v5  }
0x38: {  	v5 =	vld [tilespmem:s22+$0x6460];
	v6 =	vmul.f32 $8.000000000e+00, v6;
	[tilespmem:s22+$0xE470] =	vst v7  }
0x39: {  	[tilespmem:s22+$0xE400] =	vst v2;
	v2 =	vmul.f32 $8.000000000e+00, v4  }
0x3a: {  	[tilespmem:s22+$0xE410] =	vst v6;
	v3 =	vmul.f32 $8.000000000e+00, v3  }
0x3b: {  	[tilespmem:s22+$0xE420] =	vst v2;
	v0 =	vmul.f32 $8.000000000e+00, v0  }
0x3c: {  	[tilespmem:s22+$0xE430] =	vst v3;
	v1 =	vmul.f32 $8.000000000e+00, v1  }
0x3d: {  	s20 =	sshll.u32 s16, $0x9;
	[tilespmem:s22+$0xE440] =	vst v0;
	v0 =	vmul.f32 $8.000000000e+00, v5  }
0x3e: {  	s20 =	sand.u32 $0x3FFFFE00, s20;
	[tilespmem:s22+$0xE450] =	vst v1  }
0x3f: {  	s10 =	sadd.s32 $0x200, s20;
	[tilespmem:s22+$0xE460] =	vst v0;
	s22 =	sshll.u32 s16, $0x11  }
0x40: {  	[tilespmem:s18], [sflag:$0x1] =	stream.indirect.gather [hbm4b:s4+s15], $0x40, s10, s15, $0xb8;
	[tilespmem:$0x16400] =	vst v63  }
0x41: {  	s22 =	sor.u32 s6, s22  }
0x42: {  	s11 =	simm.s32 $0x0;
	s5 =	sadd.s32 s2, s22  }
0x43: {  	[hbm4b:s5+s11] =	stream.linear.scatter [tilespmem:s25], [sflag:$0x5], $0x2000, $0x38;
	[tilespmem:$0x16400] =	vst v63  }
0x44: {  	_ =	swait.ge [sflag:s17], $0x2000  }
0x45: {  	[sflag:s17] =	ssyncset.done $0x0  }
0x46: {  	[sflag:s17] =	ssyncadd.s32 $0xFFFFE000  }
0x47: {  	_ =	swait.ge [sflag:s26], $0x2000  }
0x48: {  	[sflag:s26] =	ssyncset.done $0x0  }
0x49: {  	s10 =	simm.s32 $0x0;
	[sflag:s26] =	ssyncadd.s32 $0xFFFFE000  }
0x4a: {  	v1 =	vld [tilespmem:s10+$0x8470]  }
0x4b: {  	v5 =	vld [tilespmem:s10+$0x8400]  }
0x4c: {  	v6 =	vld [tilespmem:s10+$0x8410]  }
0x4d: {  	v4 =	vld [tilespmem:s10+$0x8420]  }
0x4e: {  	v3 =	vld [tilespmem:s10+$0x8430]  }
0x4f: {  	v0 =	vld [tilespmem:s10+$0x8440];
	v7 =	vmul.f32 $8.000000000e+00, v1  }
0x50: {  	v1 =	vld [tilespmem:s10+$0x8450];
	v5 =	vmul.f32 $8.000000000e+00, v5  }
0x51: {  	s5 =	simm.s32 $0x80;
	s11 =	simm.s32 $0x400;
	v2 =	vld [tilespmem:s10+$0x8460];
	v6 =	vmul.f32 $8.000000000e+00, v6;
	[tilespmem:s10+$0x10470] =	vst v7  }
.LBB2_5:
0x52: {  	p0 =	sne.s32 s11, $0x7E00;
	v7 =	vld [tilespmem:s5+$0x8470];
	[tilespmem:s10+$0x10400] =	vst v5;
	v4 =	vmul.f32 $8.000000000e+00, v4  }
0x53: {  	v5 =	vld [tilespmem:s5+$0x8400];
	[tilespmem:s10+$0x10410] =	vst v6;
	v3 =	vmul.f32 $8.000000000e+00, v3  }
0x54: {  	v6 =	vld [tilespmem:s5+$0x8410];
	[tilespmem:s10+$0x10420] =	vst v4;
	v0 =	vmul.f32 $8.000000000e+00, v0  }
.Ltmp1:
0x55: {  	v4 =	vld [tilespmem:s5+$0x8420];
	[tilespmem:s10+$0x10430] =	vst v3;
	v1 =	vmul.f32 $8.000000000e+00, v1;
	(pc) =	sbr.rel @p0 .LBB2_5-.Ltmp1, $4  }
0x56: {  	v3 =	vld [tilespmem:s5+$0x8430];
	[tilespmem:s10+$0x10440] =	vst v0;
	v2 =	vmul.f32 $8.000000000e+00, v2  }
0x57: {  	v0 =	vld [tilespmem:s5+$0x8440];
	v7 =	vmul.f32 $8.000000000e+00, v7;
	[tilespmem:s10+$0x10450] =	vst v1  }
0x58: {  	v5 =	vmul.f32 $8.000000000e+00, v5;
	v1 =	vld [tilespmem:s5+$0x8450];
	[tilespmem:s10+$0x10460] =	vst v2;
	s10 =	smov.u32 s5  }
0x59: {  	s5 =	sshra.s32 s11, $0x2;
	s11 =	sadd.s32 $0x200, s11;
	v6 =	vmul.f32 $8.000000000e+00, v6;
	v2 =	vld [tilespmem:s10+$0x8460];
	[tilespmem:s10+$0x10470] =	vst v7  }
0x5a: {  	v7 =	vld [tilespmem:s5+$0x8470];
	[tilespmem:s10+$0x10400] =	vst v5;
	v4 =	vmul.f32 $8.000000000e+00, v4  }
0x5b: {  	v5 =	vld [tilespmem:s5+$0x8400];
	[tilespmem:s10+$0x10410] =	vst v6;
	v3 =	vmul.f32 $8.000000000e+00, v3  }
0x5c: {  	v6 =	vld [tilespmem:s5+$0x8410];
	[tilespmem:s10+$0x10420] =	vst v4;
	v0 =	vmul.f32 $8.000000000e+00, v0  }
0x5d: {  	v4 =	vld [tilespmem:s5+$0x8420];
	[tilespmem:s10+$0x10430] =	vst v3;
	v1 =	vmul.f32 $8.000000000e+00, v1  }
0x5e: {  	v3 =	vld [tilespmem:s5+$0x8430];
	[tilespmem:s10+$0x10440] =	vst v0;
	v2 =	vmul.f32 $8.000000000e+00, v2  }
0x5f: {  	v0 =	vld [tilespmem:s5+$0x8440];
	[tilespmem:s10+$0x10450] =	vst v1;
	v7 =	vmul.f32 $8.000000000e+00, v7  }
0x60: {  	v1 =	vld [tilespmem:s5+$0x8450];
	[tilespmem:s10+$0x10460] =	vst v2;
	v2 =	vmul.f32 $8.000000000e+00, v5  }
0x61: {  	v5 =	vld [tilespmem:s5+$0x8460];
	v6 =	vmul.f32 $8.000000000e+00, v6;
	[tilespmem:s5+$0x10470] =	vst v7  }
0x62: {  	[tilespmem:s5+$0x10400] =	vst v2;
	v2 =	vmul.f32 $8.000000000e+00, v4  }
0x63: {  	[tilespmem:s5+$0x10410] =	vst v6;
	v3 =	vmul.f32 $8.000000000e+00, v3  }
0x64: {  	[tilespmem:s5+$0x10420] =	vst v2;
	v0 =	vmul.f32 $8.000000000e+00, v0  }
0x65: {  	[tilespmem:s5+$0x10430] =	vst v3;
	v1 =	vmul.f32 $8.000000000e+00, v1  }
0x66: {  	[tilespmem:s5+$0x10440] =	vst v0;
	v0 =	vmul.f32 $8.000000000e+00, v5  }
0x67: {  	[tilespmem:s5+$0x10450] =	vst v1  }
0x68: {  	s11 =	sadd.s32 $0x280, s20;
	[tilespmem:s5+$0x10460] =	vst v0  }
0x69: {  	[tilespmem:s19], [sflag:$0x2] =	stream.indirect.gather [hbm4b:s4+s15], $0x40, s11, s15, $0xb8;
	[tilespmem:$0x16400] =	vst v63  }
0x6a: {  	s10 =	sadd.s32 s22, s7;
	s11 =	simm.s32 $0x0  }
0x6b: {  	[hbm4b:s10+s11] =	stream.linear.scatter [tilespmem:s28], [sflag:$0x5], $0x2000, $0x38;
	[tilespmem:$0x16400] =	vst v63  }
0x6c: {  	_ =	swait.ge [sflag:s17], $0x2000  }
0x6d: {  	[sflag:s17] =	ssyncset.done $0x0  }
0x6e: {  	[sflag:s17] =	ssyncadd.s32 $0xFFFFE000  }
0x6f: {  	_ =	swait.ge [sflag:s29], $0x2000  }
0x70: {  	[sflag:s29] =	ssyncset.done $0x0  }
0x71: {  	s10 =	simm.s32 $0x0;
	[sflag:s29] =	ssyncadd.s32 $0xFFFFE000  }
0x72: {  	v1 =	vld [tilespmem:s10+$0xA470]  }
0x73: {  	v5 =	vld [tilespmem:s10+$0xA400]  }
0x74: {  	v6 =	vld [tilespmem:s10+$0xA410]  }
0x75: {  	v4 =	vld [tilespmem:s10+$0xA420]  }
0x76: {  	v3 =	vld [tilespmem:s10+$0xA430]  }
0x77: {  	v0 =	vld [tilespmem:s10+$0xA440];
	v7 =	vmul.f32 $8.000000000e+00, v1  }
0x78: {  	v1 =	vld [tilespmem:s10+$0xA450];
	v5 =	vmul.f32 $8.000000000e+00, v5  }
0x79: {  	s5 =	simm.s32 $0x80;
	s11 =	simm.s32 $0x400;
	v2 =	vld [tilespmem:s10+$0xA460];
	v6 =	vmul.f32 $8.000000000e+00, v6;
	[tilespmem:s10+$0x12470] =	vst v7  }
.LBB2_7:
0x7a: {  	p0 =	sne.s32 s11, $0x7E00;
	v7 =	vld [tilespmem:s5+$0xA470];
	[tilespmem:s10+$0x12400] =	vst v5;
	v4 =	vmul.f32 $8.000000000e+00, v4  }
0x7b: {  	v5 =	vld [tilespmem:s5+$0xA400];
	[tilespmem:s10+$0x12410] =	vst v6;
	v3 =	vmul.f32 $8.000000000e+00, v3  }
0x7c: {  	v6 =	vld [tilespmem:s5+$0xA410];
	[tilespmem:s10+$0x12420] =	vst v4;
	v0 =	vmul.f32 $8.000000000e+00, v0  }
.Ltmp2:
0x7d: {  	v4 =	vld [tilespmem:s5+$0xA420];
	[tilespmem:s10+$0x12430] =	vst v3;
	v1 =	vmul.f32 $8.000000000e+00, v1;
	(pc) =	sbr.rel @p0 .LBB2_7-.Ltmp2, $4  }
0x7e: {  	v3 =	vld [tilespmem:s5+$0xA430];
	[tilespmem:s10+$0x12440] =	vst v0;
	v2 =	vmul.f32 $8.000000000e+00, v2  }
0x7f: {  	v0 =	vld [tilespmem:s5+$0xA440];
	v7 =	vmul.f32 $8.000000000e+00, v7;
	[tilespmem:s10+$0x12450] =	vst v1  }
0x80: {  	v5 =	vmul.f32 $8.000000000e+00, v5;
	v1 =	vld [tilespmem:s5+$0xA450];
	[tilespmem:s10+$0x12460] =	vst v2;
	s10 =	smov.u32 s5  }
0x81: {  	s5 =	sshra.s32 s11, $0x2;
	s11 =	sadd.s32 $0x200, s11;
	v6 =	vmul.f32 $8.000000000e+00, v6;
	v2 =	vld [tilespmem:s10+$0xA460];
	[tilespmem:s10+$0x12470] =	vst v7  }
0x82: {  	v7 =	vld [tilespmem:s5+$0xA470];
	[tilespmem:s10+$0x12400] =	vst v5;
	v4 =	vmul.f32 $8.000000000e+00, v4  }
0x83: {  	v5 =	vld [tilespmem:s5+$0xA400];
	[tilespmem:s10+$0x12410] =	vst v6;
	v3 =	vmul.f32 $8.000000000e+00, v3  }
0x84: {  	v6 =	vld [tilespmem:s5+$0xA410];
	[tilespmem:s10+$0x12420] =	vst v4;
	v0 =	vmul.f32 $8.000000000e+00, v0  }
0x85: {  	v4 =	vld [tilespmem:s5+$0xA420];
	[tilespmem:s10+$0x12430] =	vst v3;
	v1 =	vmul.f32 $8.000000000e+00, v1  }
0x86: {  	v3 =	vld [tilespmem:s5+$0xA430];
	[tilespmem:s10+$0x12440] =	vst v0;
	v2 =	vmul.f32 $8.000000000e+00, v2  }
0x87: {  	v0 =	vld [tilespmem:s5+$0xA440];
	[tilespmem:s10+$0x12450] =	vst v1;
	v7 =	vmul.f32 $8.000000000e+00, v7  }
0x88: {  	v1 =	vld [tilespmem:s5+$0xA450];
	[tilespmem:s10+$0x12460] =	vst v2;
	v2 =	vmul.f32 $8.000000000e+00, v5  }
0x89: {  	v5 =	vld [tilespmem:s5+$0xA460];
	v6 =	vmul.f32 $8.000000000e+00, v6;
	[tilespmem:s5+$0x12470] =	vst v7  }
0x8a: {  	[tilespmem:s5+$0x12400] =	vst v2;
	v2 =	vmul.f32 $8.000000000e+00, v4  }
0x8b: {  	[tilespmem:s5+$0x12410] =	vst v6;
	v3 =	vmul.f32 $8.000000000e+00, v3  }
0x8c: {  	[tilespmem:s5+$0x12420] =	vst v2;
	v0 =	vmul.f32 $8.000000000e+00, v0  }
0x8d: {  	[tilespmem:s5+$0x12430] =	vst v3;
	v1 =	vmul.f32 $8.000000000e+00, v1  }
0x8e: {  	[tilespmem:s5+$0x12440] =	vst v0;
	v0 =	vmul.f32 $8.000000000e+00, v5  }
0x8f: {  	[tilespmem:s5+$0x12450] =	vst v1  }
0x90: {  	s11 =	sadd.s32 $0x300, s20;
	[tilespmem:s5+$0x12460] =	vst v0  }
0x91: {  	[tilespmem:s21], [sflag:$0x3] =	stream.indirect.gather [hbm4b:s4+s15], $0x40, s11, s15, $0xb8;
	[tilespmem:$0x16400] =	vst v63  }
0x92: {  	s10 =	sadd.s32 s22, s8;
	s11 =	simm.s32 $0x0  }
0x93: {  	[hbm4b:s10+s11] =	stream.linear.scatter [tilespmem:s30], [sflag:$0x5], $0x2000, $0x38;
	[tilespmem:$0x16400] =	vst v63  }
0x94: {  	_ =	swait.ge [sflag:s17], $0x2000  }
0x95: {  	[sflag:s17] =	ssyncset.done $0x0  }
0x96: {  	[sflag:s17] =	ssyncadd.s32 $0xFFFFE000  }
0x97: {  	_ =	swait.ge [sflag:s31], $0x2000  }
0x98: {  	[sflag:s31] =	ssyncset.done $0x0  }
0x99: {  	s10 =	simm.s32 $0x0;
	[sflag:s31] =	ssyncadd.s32 $0xFFFFE000  }
0x9a: {  	v1 =	vld [tilespmem:s10+$0xC470]  }
0x9b: {  	v5 =	vld [tilespmem:s10+$0xC400]  }
0x9c: {  	v6 =	vld [tilespmem:s10+$0xC410]  }
0x9d: {  	v4 =	vld [tilespmem:s10+$0xC420]  }
0x9e: {  	v3 =	vld [tilespmem:s10+$0xC430]  }
0x9f: {  	v0 =	vld [tilespmem:s10+$0xC440];
	v7 =	vmul.f32 $8.000000000e+00, v1  }
0xa0: {  	v1 =	vld [tilespmem:s10+$0xC450];
	v5 =	vmul.f32 $8.000000000e+00, v5  }
0xa1: {  	s5 =	simm.s32 $0x80;
	s11 =	simm.s32 $0x400;
	v2 =	vld [tilespmem:s10+$0xC460];
	v6 =	vmul.f32 $8.000000000e+00, v6;
	[tilespmem:s10+$0x14470] =	vst v7  }
.LBB2_9:
0xa2: {  	p0 =	sne.s32 s11, $0x7E00;
	v7 =	vld [tilespmem:s5+$0xC470];
	[tilespmem:s10+$0x14400] =	vst v5;
	v4 =	vmul.f32 $8.000000000e+00, v4  }
0xa3: {  	v5 =	vld [tilespmem:s5+$0xC400];
	[tilespmem:s10+$0x14410] =	vst v6;
	v3 =	vmul.f32 $8.000000000e+00, v3  }
0xa4: {  	v6 =	vld [tilespmem:s5+$0xC410];
	[tilespmem:s10+$0x14420] =	vst v4;
	v0 =	vmul.f32 $8.000000000e+00, v0  }
.Ltmp3:
0xa5: {  	v4 =	vld [tilespmem:s5+$0xC420];
	[tilespmem:s10+$0x14430] =	vst v3;
	v1 =	vmul.f32 $8.000000000e+00, v1;
	(pc) =	sbr.rel @p0 .LBB2_9-.Ltmp3, $4  }
0xa6: {  	v3 =	vld [tilespmem:s5+$0xC430];
	[tilespmem:s10+$0x14440] =	vst v0;
	v2 =	vmul.f32 $8.000000000e+00, v2  }
0xa7: {  	v0 =	vld [tilespmem:s5+$0xC440];
	v7 =	vmul.f32 $8.000000000e+00, v7;
	[tilespmem:s10+$0x14450] =	vst v1  }
0xa8: {  	v5 =	vmul.f32 $8.000000000e+00, v5;
	v1 =	vld [tilespmem:s5+$0xC450];
	[tilespmem:s10+$0x14460] =	vst v2;
	s10 =	smov.u32 s5  }
0xa9: {  	s5 =	sshra.s32 s11, $0x2;
	s11 =	sadd.s32 $0x200, s11;
	v6 =	vmul.f32 $8.000000000e+00, v6;
	v2 =	vld [tilespmem:s10+$0xC460];
	[tilespmem:s10+$0x14470] =	vst v7  }
0xaa: {  	v7 =	vld [tilespmem:s5+$0xC470];
	[tilespmem:s10+$0x14400] =	vst v5;
	v4 =	vmul.f32 $8.000000000e+00, v4  }
0xab: {  	v5 =	vld [tilespmem:s5+$0xC400];
	[tilespmem:s10+$0x14410] =	vst v6;
	v3 =	vmul.f32 $8.000000000e+00, v3  }
0xac: {  	v6 =	vld [tilespmem:s5+$0xC410];
	[tilespmem:s10+$0x14420] =	vst v4;
	v0 =	vmul.f32 $8.000000000e+00, v0  }
0xad: {  	v4 =	vld [tilespmem:s5+$0xC420];
	[tilespmem:s10+$0x14430] =	vst v3;
	v1 =	vmul.f32 $8.000000000e+00, v1  }
0xae: {  	v3 =	vld [tilespmem:s5+$0xC430];
	[tilespmem:s10+$0x14440] =	vst v0;
	v2 =	vmul.f32 $8.000000000e+00, v2  }
0xaf: {  	v0 =	vld [tilespmem:s5+$0xC440];
	[tilespmem:s10+$0x14450] =	vst v1;
	v7 =	vmul.f32 $8.000000000e+00, v7  }
0xb0: {  	v1 =	vld [tilespmem:s5+$0xC450];
	[tilespmem:s10+$0x14460] =	vst v2;
	v60 =	vmul.f32 $8.000000000e+00, v5  }
0xb1: {  	v61 =	vld [tilespmem:s5+$0xC460];
	v6 =	vmul.f32 $8.000000000e+00, v6;
	[tilespmem:s5+$0x14470] =	vst v7  }
0xb2: {  	[tilespmem:s5+$0x14400] =	vst v60;
	v62 =	vmul.f32 $8.000000000e+00, v4  }
0xb3: {  	[tilespmem:s5+$0x14410] =	vst v6;
	v3 =	vmul.f32 $8.000000000e+00, v3  }
0xb4: {  	[tilespmem:s5+$0x14420] =	vst v62;
	v0 =	vmul.f32 $8.000000000e+00, v0  }
0xb5: {  	[tilespmem:s5+$0x14430] =	vst v3;
	v1 =	vmul.f32 $8.000000000e+00, v1  }
0xb6: {  	[tilespmem:s5+$0x14440] =	vst v0;
	v63 =	vmul.f32 $8.000000000e+00, v61  }
0xb7: {  	s16 =	sadd.s32 $0x1, s16;
	[tilespmem:s5+$0x14450] =	vst v1  }
0xb8: {  	s20 =	sadd.s32 $0x380, s20;
	p0 =	sne.s32 s16, $0x31;
	[tilespmem:s5+$0x14460] =	vst v63  }
0xb9: {  	[tilespmem:s23], [sflag:$0x4] =	stream.indirect.gather [hbm4b:s4+s15], $0x40, s20, s15, $0xb8;
	[tilespmem:$0x16400] =	vst v63  }
.Ltmp4:
0xba: {  	s22 =	sadd.s32 s22, s9;
	(pc) =	sbr.rel @p0 .LBB2_2-.Ltmp4, $4  }
0xbb: {  	[hbm4b:s22+s3] =	stream.linear.scatter [tilespmem:s0], [sflag:$0x5], $0x2000, $0x38;
	[tilespmem:$0x16400] =	vst v63  }
0xbc: {  	_ =	swait.ge [sflag:s17], $0x2000  }
0xbd: {  	[sflag:s17] =	ssyncset.done $0x0  }
0xbe: {  	[sflag:s17] =	ssyncadd.s32 $0xFFFFE000  }
0xbf: {  	_ =	swait.ge [sflag:s24], $0x2000  }
0xc0: {  	[sflag:s24] =	ssyncset.done $0x0  }
0xc1: {  	s10 =	simm.s32 $0x0;
	[sflag:s24] =	ssyncadd.s32 $0xFFFFE000  }
0xc2: {  	v1 =	vld [tilespmem:s10+$0x6470]  }
0xc3: {  	v5 =	vld [tilespmem:s10+$0x6400]  }
0xc4: {  	v6 =	vld [tilespmem:s10+$0x6410]  }
0xc5: {  	v4 =	vld [tilespmem:s10+$0x6420]  }
0xc6: {  	v3 =	vld [tilespmem:s10+$0x6430]  }
0xc7: {  	v0 =	vld [tilespmem:s10+$0x6440];
	v7 =	vmul.f32 $8.000000000e+00, v1  }
0xc8: {  	v1 =	vld [tilespmem:s10+$0x6450];
	v5 =	vmul.f32 $8.000000000e+00, v5  }
0xc9: {  	s5 =	simm.s32 $0x80;
	s11 =	simm.s32 $0x400;
	v2 =	vld [tilespmem:s10+$0x6460];
	v6 =	vmul.f32 $8.000000000e+00, v6;
	[tilespmem:s10+$0xE470] =	vst v7  }
.LBB2_12:
0xca: {  	p0 =	sne.s32 s11, $0x7E00;
	v7 =	vld [tilespmem:s5+$0x6470];
	[tilespmem:s10+$0xE400] =	vst v5;
	v4 =	vmul.f32 $8.000000000e+00, v4  }
0xcb: {  	v5 =	vld [tilespmem:s5+$0x6400];
	[tilespmem:s10+$0xE410] =	vst v6;
	v3 =	vmul.f32 $8.000000000e+00, v3  }
0xcc: {  	v6 =	vld [tilespmem:s5+$0x6410];
	[tilespmem:s10+$0xE420] =	vst v4;
	v0 =	vmul.f32 $8.000000000e+00, v0  }
.Ltmp5:
0xcd: {  	v4 =	vld [tilespmem:s5+$0x6420];
	[tilespmem:s10+$0xE430] =	vst v3;
	v1 =	vmul.f32 $8.000000000e+00, v1;
	(pc) =	sbr.rel @p0 .LBB2_12-.Ltmp5, $4  }
0xce: {  	v3 =	vld [tilespmem:s5+$0x6430];
	[tilespmem:s10+$0xE440] =	vst v0;
	v2 =	vmul.f32 $8.000000000e+00, v2  }
0xcf: {  	v0 =	vld [tilespmem:s5+$0x6440];
	v7 =	vmul.f32 $8.000000000e+00, v7;
	[tilespmem:s10+$0xE450] =	vst v1  }
0xd0: {  	v5 =	vmul.f32 $8.000000000e+00, v5;
	v1 =	vld [tilespmem:s5+$0x6450];
	[tilespmem:s10+$0xE460] =	vst v2;
	s10 =	smov.u32 s5  }
0xd1: {  	s5 =	sshra.s32 s11, $0x2;
	s11 =	sadd.s32 $0x200, s11;
	v6 =	vmul.f32 $8.000000000e+00, v6;
	v2 =	vld [tilespmem:s10+$0x6460];
	[tilespmem:s10+$0xE470] =	vst v7  }
0xd2: {  	v7 =	vld [tilespmem:s5+$0x6470];
	[tilespmem:s10+$0xE400] =	vst v5;
	v4 =	vmul.f32 $8.000000000e+00, v4  }
0xd3: {  	v5 =	vld [tilespmem:s5+$0x6400];
	[tilespmem:s10+$0xE410] =	vst v6;
	v3 =	vmul.f32 $8.000000000e+00, v3  }
0xd4: {  	v6 =	vld [tilespmem:s5+$0x6410];
	[tilespmem:s10+$0xE420] =	vst v4;
	v0 =	vmul.f32 $8.000000000e+00, v0  }
0xd5: {  	v4 =	vld [tilespmem:s5+$0x6420];
	[tilespmem:s10+$0xE430] =	vst v3;
	v1 =	vmul.f32 $8.000000000e+00, v1  }
0xd6: {  	v3 =	vld [tilespmem:s5+$0x6430];
	[tilespmem:s10+$0xE440] =	vst v0;
	v2 =	vmul.f32 $8.000000000e+00, v2  }
0xd7: {  	v0 =	vld [tilespmem:s5+$0x6440];
	[tilespmem:s10+$0xE450] =	vst v1;
	v7 =	vmul.f32 $8.000000000e+00, v7  }
0xd8: {  	v1 =	vld [tilespmem:s5+$0x6450];
	[tilespmem:s10+$0xE460] =	vst v2;
	v2 =	vmul.f32 $8.000000000e+00, v5  }
0xd9: {  	v5 =	vld [tilespmem:s5+$0x6460];
	v6 =	vmul.f32 $8.000000000e+00, v6;
	[tilespmem:s5+$0xE470] =	vst v7  }
0xda: {  	[tilespmem:s5+$0xE400] =	vst v2;
	v2 =	vmul.f32 $8.000000000e+00, v4  }
0xdb: {  	[tilespmem:s5+$0xE410] =	vst v6;
	v3 =	vmul.f32 $8.000000000e+00, v3  }
0xdc: {  	[tilespmem:s5+$0xE420] =	vst v2;
	v0 =	vmul.f32 $8.000000000e+00, v0  }
0xdd: {  	[tilespmem:s5+$0xE430] =	vst v3;
	v1 =	vmul.f32 $8.000000000e+00, v1  }
0xde: {  	[tilespmem:s5+$0xE440] =	vst v0;
	v0 =	vmul.f32 $8.000000000e+00, v5  }
0xdf: {  	[tilespmem:s5+$0xE450] =	vst v1  }
0xe0: {  	s20 =	simm.s32 $0x0;
	s22 =	rddreg [dreg:$0x4];
	[tilespmem:s5+$0xE460] =	vst v0  }
0xe1: {  	[hbm4b:s22+s20] =	stream.linear.scatter [tilespmem:s25], [sflag:$0x5], $0x2000, $0x38;
	[tilespmem:$0x16400] =	vst v63  }
0xe2: {  	_ =	swait.ge [sflag:s17], $0x2000  }
0xe3: {  	[sflag:s17] =	ssyncset.done $0x0  }
0xe4: {  	[sflag:s17] =	ssyncadd.s32 $0xFFFFE000  }
0xe5: {  	_ =	swait.ge [sflag:s26], $0x2000  }
0xe6: {  	[sflag:s26] =	ssyncset.done $0x0  }
0xe7: {  	s10 =	simm.s32 $0x0;
	[sflag:s26] =	ssyncadd.s32 $0xFFFFE000  }
0xe8: {  	v1 =	vld [tilespmem:s10+$0x8470]  }
0xe9: {  	v5 =	vld [tilespmem:s10+$0x8400]  }
0xea: {  	v6 =	vld [tilespmem:s10+$0x8410]  }
0xeb: {  	v4 =	vld [tilespmem:s10+$0x8420]  }
0xec: {  	v3 =	vld [tilespmem:s10+$0x8430]  }
0xed: {  	v0 =	vld [tilespmem:s10+$0x8440];
	v7 =	vmul.f32 $8.000000000e+00, v1  }
0xee: {  	v1 =	vld [tilespmem:s10+$0x8450];
	v5 =	vmul.f32 $8.000000000e+00, v5  }
0xef: {  	s11 =	simm.s32 $0x400;
	s5 =	simm.s32 $0x80;
	v2 =	vld [tilespmem:s10+$0x8460];
	v6 =	vmul.f32 $8.000000000e+00, v6;
	[tilespmem:s10+$0x10470] =	vst v7  }
.LBB2_14:
0xf0: {  	p0 =	sne.s32 s11, $0x7E00;
	v7 =	vld [tilespmem:s5+$0x8470];
	[tilespmem:s10+$0x10400] =	vst v5;
	v4 =	vmul.f32 $8.000000000e+00, v4  }
0xf1: {  	v5 =	vld [tilespmem:s5+$0x8400];
	[tilespmem:s10+$0x10410] =	vst v6;
	v3 =	vmul.f32 $8.000000000e+00, v3  }
0xf2: {  	v6 =	vld [tilespmem:s5+$0x8410];
	[tilespmem:s10+$0x10420] =	vst v4;
	v0 =	vmul.f32 $8.000000000e+00, v0  }
.Ltmp6:
0xf3: {  	v4 =	vld [tilespmem:s5+$0x8420];
	[tilespmem:s10+$0x10430] =	vst v3;
	v1 =	vmul.f32 $8.000000000e+00, v1;
	(pc) =	sbr.rel @p0 .LBB2_14-.Ltmp6, $4  }
0xf4: {  	v3 =	vld [tilespmem:s5+$0x8430];
	[tilespmem:s10+$0x10440] =	vst v0;
	v2 =	vmul.f32 $8.000000000e+00, v2  }
0xf5: {  	v0 =	vld [tilespmem:s5+$0x8440];
	v7 =	vmul.f32 $8.000000000e+00, v7;
	[tilespmem:s10+$0x10450] =	vst v1  }
0xf6: {  	v5 =	vmul.f32 $8.000000000e+00, v5;
	v1 =	vld [tilespmem:s5+$0x8450];
	[tilespmem:s10+$0x10460] =	vst v2;
	s10 =	smov.u32 s5  }
0xf7: {  	s5 =	sshra.s32 s11, $0x2;
	s11 =	sadd.s32 $0x200, s11;
	v6 =	vmul.f32 $8.000000000e+00, v6;
	v2 =	vld [tilespmem:s10+$0x8460];
	[tilespmem:s10+$0x10470] =	vst v7  }
0xf8: {  	v7 =	vld [tilespmem:s5+$0x8470];
	[tilespmem:s10+$0x10400] =	vst v5;
	v4 =	vmul.f32 $8.000000000e+00, v4  }
0xf9: {  	v5 =	vld [tilespmem:s5+$0x8400];
	[tilespmem:s10+$0x10410] =	vst v6;
	v3 =	vmul.f32 $8.000000000e+00, v3  }
0xfa: {  	v6 =	vld [tilespmem:s5+$0x8410];
	[tilespmem:s10+$0x10420] =	vst v4;
	v0 =	vmul.f32 $8.000000000e+00, v0  }
0xfb: {  	v4 =	vld [tilespmem:s5+$0x8420];
	[tilespmem:s10+$0x10430] =	vst v3;
	v1 =	vmul.f32 $8.000000000e+00, v1  }
0xfc: {  	v3 =	vld [tilespmem:s5+$0x8430];
	[tilespmem:s10+$0x10440] =	vst v0;
	v2 =	vmul.f32 $8.000000000e+00, v2  }
0xfd: {  	v0 =	vld [tilespmem:s5+$0x8440];
	[tilespmem:s10+$0x10450] =	vst v1;
	v7 =	vmul.f32 $8.000000000e+00, v7  }
0xfe: {  	v1 =	vld [tilespmem:s5+$0x8450];
	[tilespmem:s10+$0x10460] =	vst v2;
	v2 =	vmul.f32 $8.000000000e+00, v5  }
0xff: {  	v5 =	vld [tilespmem:s5+$0x8460];
	v6 =	vmul.f32 $8.000000000e+00, v6;
	[tilespmem:s5+$0x10470] =	vst v7  }
0x100: {  	[tilespmem:s5+$0x10400] =	vst v2;
	v2 =	vmul.f32 $8.000000000e+00, v4  }
0x101: {  	[tilespmem:s5+$0x10410] =	vst v6;
	v3 =	vmul.f32 $8.000000000e+00, v3  }
0x102: {  	[tilespmem:s5+$0x10420] =	vst v2;
	v0 =	vmul.f32 $8.000000000e+00, v0  }
0x103: {  	[tilespmem:s5+$0x10430] =	vst v3;
	v1 =	vmul.f32 $8.000000000e+00, v1  }
0x104: {  	[tilespmem:s5+$0x10440] =	vst v0;
	v0 =	vmul.f32 $8.000000000e+00, v5  }
0x105: {  	[tilespmem:s5+$0x10450] =	vst v1  }
0x106: {  	s20 =	simm.s32 $0x0;
	s22 =	rddreg [dreg:$0x5];
	[tilespmem:s5+$0x10460] =	vst v0  }
0x107: {  	[hbm4b:s22+s20] =	stream.linear.scatter [tilespmem:s28], [sflag:$0x5], $0x2000, $0x38;
	[tilespmem:$0x16400] =	vst v63  }
0x108: {  	_ =	swait.ge [sflag:s17], $0x2000  }
0x109: {  	[sflag:s17] =	ssyncset.done $0x0  }
0x10a: {  	[sflag:s17] =	ssyncadd.s32 $0xFFFFE000  }
0x10b: {  	_ =	swait.ge [sflag:s29], $0x2000  }
0x10c: {  	[sflag:s29] =	ssyncset.done $0x0  }
0x10d: {  	s10 =	simm.s32 $0x0;
	[sflag:s29] =	ssyncadd.s32 $0xFFFFE000  }
0x10e: {  	v1 =	vld [tilespmem:s10+$0xA470]  }
0x10f: {  	v5 =	vld [tilespmem:s10+$0xA400]  }
0x110: {  	v6 =	vld [tilespmem:s10+$0xA410]  }
0x111: {  	v4 =	vld [tilespmem:s10+$0xA420]  }
0x112: {  	v3 =	vld [tilespmem:s10+$0xA430]  }
0x113: {  	v0 =	vld [tilespmem:s10+$0xA440];
	v7 =	vmul.f32 $8.000000000e+00, v1  }
0x114: {  	v1 =	vld [tilespmem:s10+$0xA450];
	v5 =	vmul.f32 $8.000000000e+00, v5  }
0x115: {  	s11 =	simm.s32 $0x400;
	s5 =	simm.s32 $0x80;
	v2 =	vld [tilespmem:s10+$0xA460];
	v6 =	vmul.f32 $8.000000000e+00, v6;
	[tilespmem:s10+$0x12470] =	vst v7  }
.LBB2_16:
0x116: {  	p0 =	sne.s32 s11, $0x7E00;
	v7 =	vld [tilespmem:s5+$0xA470];
	[tilespmem:s10+$0x12400] =	vst v5;
	v4 =	vmul.f32 $8.000000000e+00, v4  }
0x117: {  	v5 =	vld [tilespmem:s5+$0xA400];
	[tilespmem:s10+$0x12410] =	vst v6;
	v3 =	vmul.f32 $8.000000000e+00, v3  }
0x118: {  	v6 =	vld [tilespmem:s5+$0xA410];
	[tilespmem:s10+$0x12420] =	vst v4;
	v0 =	vmul.f32 $8.000000000e+00, v0  }
.Ltmp7:
0x119: {  	v4 =	vld [tilespmem:s5+$0xA420];
	[tilespmem:s10+$0x12430] =	vst v3;
	v1 =	vmul.f32 $8.000000000e+00, v1;
	(pc) =	sbr.rel @p0 .LBB2_16-.Ltmp7, $4  }
0x11a: {  	v3 =	vld [tilespmem:s5+$0xA430];
	[tilespmem:s10+$0x12440] =	vst v0;
	v2 =	vmul.f32 $8.000000000e+00, v2  }
0x11b: {  	v0 =	vld [tilespmem:s5+$0xA440];
	v7 =	vmul.f32 $8.000000000e+00, v7;
	[tilespmem:s10+$0x12450] =	vst v1  }
0x11c: {  	v5 =	vmul.f32 $8.000000000e+00, v5;
	v1 =	vld [tilespmem:s5+$0xA450];
	[tilespmem:s10+$0x12460] =	vst v2;
	s10 =	smov.u32 s5  }
0x11d: {  	s5 =	sshra.s32 s11, $0x2;
	s11 =	sadd.s32 $0x200, s11;
	v6 =	vmul.f32 $8.000000000e+00, v6;
	v2 =	vld [tilespmem:s10+$0xA460];
	[tilespmem:s10+$0x12470] =	vst v7  }
0x11e: {  	v7 =	vld [tilespmem:s5+$0xA470];
	[tilespmem:s10+$0x12400] =	vst v5;
	v4 =	vmul.f32 $8.000000000e+00, v4  }
0x11f: {  	v5 =	vld [tilespmem:s5+$0xA400];
	[tilespmem:s10+$0x12410] =	vst v6;
	v3 =	vmul.f32 $8.000000000e+00, v3  }
0x120: {  	v6 =	vld [tilespmem:s5+$0xA410];
	[tilespmem:s10+$0x12420] =	vst v4;
	v0 =	vmul.f32 $8.000000000e+00, v0  }
0x121: {  	v4 =	vld [tilespmem:s5+$0xA420];
	[tilespmem:s10+$0x12430] =	vst v3;
	v1 =	vmul.f32 $8.000000000e+00, v1  }
0x122: {  	v3 =	vld [tilespmem:s5+$0xA430];
	[tilespmem:s10+$0x12440] =	vst v0;
	v2 =	vmul.f32 $8.000000000e+00, v2  }
0x123: {  	v0 =	vld [tilespmem:s5+$0xA440];
	[tilespmem:s10+$0x12450] =	vst v1;
	v7 =	vmul.f32 $8.000000000e+00, v7  }
0x124: {  	v1 =	vld [tilespmem:s5+$0xA450];
	[tilespmem:s10+$0x12460] =	vst v2;
	v2 =	vmul.f32 $8.000000000e+00, v5  }
0x125: {  	v5 =	vld [tilespmem:s5+$0xA460];
	v6 =	vmul.f32 $8.000000000e+00, v6;
	[tilespmem:s5+$0x12470] =	vst v7  }
0x126: {  	[tilespmem:s5+$0x12400] =	vst v2;
	v2 =	vmul.f32 $8.000000000e+00, v4  }
0x127: {  	[tilespmem:s5+$0x12410] =	vst v6;
	v3 =	vmul.f32 $8.000000000e+00, v3  }
0x128: {  	[tilespmem:s5+$0x12420] =	vst v2;
	v0 =	vmul.f32 $8.000000000e+00, v0  }
0x129: {  	[tilespmem:s5+$0x12430] =	vst v3;
	v1 =	vmul.f32 $8.000000000e+00, v1  }
0x12a: {  	[tilespmem:s5+$0x12440] =	vst v0;
	v0 =	vmul.f32 $8.000000000e+00, v5  }
0x12b: {  	[tilespmem:s5+$0x12450] =	vst v1  }
0x12c: {  	s22 =	simm.s32 $0x0;
	[tilespmem:s5+$0x12460] =	vst v0  }
0x12d: {  	[hbm4b:s12+s22] =	stream.linear.scatter [tilespmem:s30], [sflag:$0x5], $0x2000, $0x38;
	[tilespmem:$0x16400] =	vst v63  }
0x12e: {  	_ =	swait.ge [sflag:s17], $0x2000  }
0x12f: {  	[sflag:s17] =	ssyncset.done $0x0  }
0x130: {  	[sflag:s17] =	ssyncadd.s32 $0xFFFFE000  }
0x131: {  	_ =	swait.ge [sflag:s31], $0x2000  }
0x132: {  	[sflag:s31] =	ssyncset.done $0x0  }
0x133: {  	s10 =	simm.s32 $0x0;
	[sflag:s31] =	ssyncadd.s32 $0xFFFFE000  }
0x134: {  	v1 =	vld [tilespmem:s10+$0xC470]  }
0x135: {  	v5 =	vld [tilespmem:s10+$0xC400]  }
0x136: {  	v6 =	vld [tilespmem:s10+$0xC410]  }
0x137: {  	v4 =	vld [tilespmem:s10+$0xC420]  }
0x138: {  	v3 =	vld [tilespmem:s10+$0xC430]  }
0x139: {  	v0 =	vld [tilespmem:s10+$0xC440];
	v7 =	vmul.f32 $8.000000000e+00, v1  }
0x13a: {  	v1 =	vld [tilespmem:s10+$0xC450];
	v5 =	vmul.f32 $8.000000000e+00, v5  }
0x13b: {  	s11 =	simm.s32 $0x400;
	s5 =	simm.s32 $0x80;
	v2 =	vld [tilespmem:s10+$0xC460];
	v6 =	vmul.f32 $8.000000000e+00, v6;
	[tilespmem:s10+$0x14470] =	vst v7  }
.LBB2_18:
0x13c: {  	p0 =	sne.s32 s11, $0x7E00;
	v7 =	vld [tilespmem:s5+$0xC470];
	[tilespmem:s10+$0x14400] =	vst v5;
	v4 =	vmul.f32 $8.000000000e+00, v4  }
0x13d: {  	v5 =	vld [tilespmem:s5+$0xC400];
	[tilespmem:s10+$0x14410] =	vst v6;
	v3 =	vmul.f32 $8.000000000e+00, v3  }
0x13e: {  	v6 =	vld [tilespmem:s5+$0xC410];
	[tilespmem:s10+$0x14420] =	vst v4;
	v0 =	vmul.f32 $8.000000000e+00, v0  }
.Ltmp8:
0x13f: {  	v4 =	vld [tilespmem:s5+$0xC420];
	[tilespmem:s10+$0x14430] =	vst v3;
	v1 =	vmul.f32 $8.000000000e+00, v1;
	(pc) =	sbr.rel @p0 .LBB2_18-.Ltmp8, $4  }
0x140: {  	v3 =	vld [tilespmem:s5+$0xC430];
	[tilespmem:s10+$0x14440] =	vst v0;
	v2 =	vmul.f32 $8.000000000e+00, v2  }
0x141: {  	v0 =	vld [tilespmem:s5+$0xC440];
	v7 =	vmul.f32 $8.000000000e+00, v7;
	[tilespmem:s10+$0x14450] =	vst v1  }
0x142: {  	v5 =	vmul.f32 $8.000000000e+00, v5;
	v1 =	vld [tilespmem:s5+$0xC450];
	[tilespmem:s10+$0x14460] =	vst v2;
	s10 =	smov.u32 s5  }
0x143: {  	s5 =	sshra.s32 s11, $0x2;
	s11 =	sadd.s32 $0x200, s11;
	v6 =	vmul.f32 $8.000000000e+00, v6;
	v2 =	vld [tilespmem:s10+$0xC460];
	[tilespmem:s10+$0x14470] =	vst v7  }
0x144: {  	v7 =	vld [tilespmem:s5+$0xC470];
	[tilespmem:s10+$0x14400] =	vst v5;
	v4 =	vmul.f32 $8.000000000e+00, v4  }
0x145: {  	v5 =	vld [tilespmem:s5+$0xC400];
	[tilespmem:s10+$0x14410] =	vst v6;
	v3 =	vmul.f32 $8.000000000e+00, v3  }
0x146: {  	v6 =	vld [tilespmem:s5+$0xC410];
	[tilespmem:s10+$0x14420] =	vst v4;
	v0 =	vmul.f32 $8.000000000e+00, v0  }
0x147: {  	v4 =	vld [tilespmem:s5+$0xC420];
	[tilespmem:s10+$0x14430] =	vst v3;
	v1 =	vmul.f32 $8.000000000e+00, v1  }
0x148: {  	v3 =	vld [tilespmem:s5+$0xC430];
	[tilespmem:s10+$0x14440] =	vst v0;
	v2 =	vmul.f32 $8.000000000e+00, v2  }
0x149: {  	v0 =	vld [tilespmem:s5+$0xC440];
	[tilespmem:s10+$0x14450] =	vst v1;
	v7 =	vmul.f32 $8.000000000e+00, v7  }
0x14a: {  	v1 =	vld [tilespmem:s5+$0xC450];
	[tilespmem:s10+$0x14460] =	vst v2;
	v60 =	vmul.f32 $8.000000000e+00, v5  }
0x14b: {  	v61 =	vld [tilespmem:s5+$0xC460];
	v6 =	vmul.f32 $8.000000000e+00, v6;
	[tilespmem:s5+$0x14470] =	vst v7  }
0x14c: {  	[tilespmem:s5+$0x14400] =	vst v60;
	v62 =	vmul.f32 $8.000000000e+00, v4  }
0x14d: {  	[tilespmem:s5+$0x14410] =	vst v6;
	v3 =	vmul.f32 $8.000000000e+00, v3  }
0x14e: {  	[tilespmem:s5+$0x14420] =	vst v62;
	v0 =	vmul.f32 $8.000000000e+00, v0  }
0x14f: {  	[tilespmem:s5+$0x14430] =	vst v3;
	v1 =	vmul.f32 $8.000000000e+00, v1  }
0x150: {  	s1 =	sadd.s32 $0x1, s1;
	[tilespmem:s5+$0x14440] =	vst v0;
	v63 =	vmul.f32 $8.000000000e+00, v61  }
0x151: {  	p0 =	sne.s32 s1, s14;
	[tilespmem:s5+$0x14450] =	vst v1  }
.Ltmp9:
0x152: {  	[tilespmem:s5+$0x14460] =	vst v63;
	(pc) =	sbr.rel @p0 .LBB2_1-.Ltmp9, $4  }
0x153: {  	[hbm4b:s13+s3] =	stream.linear.scatter [tilespmem:s0], [sflag:$0x5], $0x2000, $0x38;
	[tilespmem:$0x16400] =	vst v63  }
0x154: {  	_ =	swait.ge [sflag:s17], $0x2000  }
0x155: {  	[sflag:s17] =	ssyncset.done $0x0  }
0x156: {  	[sflag:s17] =	ssyncadd.s32 $0xFFFFE000  }
0x157: {  	_ =	sfence.sel $0x180000  }
0x158: {  	[bflag:$0x0] =	sbarrier.arrive $0xFFFF  }
0x159: {  	_ =	strace $0x90000047  }
0x15a: {  	s0 =	stileid.u32;
	[bflag:$0x2] =	sbarrier.arrive $0xFFFF  }
0x15b: {  	p0 =	sne.s32 s0, $0x0;
	s0 =	rddreg [dreg:$0x2]  }
0x15c: {  	s0 =	sadd.s32 @!p0 $0x100000, s0  }
0x15d: {  	[sflag:s0] =	ssyncadd.tile.s32 @!p0 $0x1;
	_ =	shalt  }
.Lfunc_end2:
_tile_overlayer_lowered:
.L_overlay_start_2:
0x15e: {  	(tag) =	ssettag $0x2  }
0x15f: {  	s0 =	rddreg [dreg:$0x0];
	s2 =	stileid.u32  }
0x160: {  	s1 =	rddreg [dreg:$0x1];
	p0 =	sne.s32 s2, $0x0  }
0x161: {  	s3 =	rddreg [dreg:$0x2];
	[bflag:$0x3] =	sbarrier.arrive $0xFFFF;
	s2 =	simm.s32 @!p0 $0x1C05  }
0x162: {  	[timem:s3], [sflag:s2] =	dma.local @!p0 [hbm:s0], s1  }
0x163: {  	s0 =	simm.s32 @!p0 $0x5  }
0x164: {  	_ =	swait.ge @!p0 [sflag:s0], s1  }
0x165: {  	s1 =	ssub.s32 @!p0 $0x0, s1;
	[sflag:s0] =	ssyncset.done @!p0 $0x0  }
0x166: {  	[sflag:s0] =	ssyncadd.s32 @!p0 s1  }
0x167: {  	[bflag:$0x3] =	sbarrier.arrive $0xFFFF  }
0x168: {  	_ =	shalt  }

// kernel: sparse-core-data-format-call.cloned.1.call-start
scs
called_computation_lowered:
.L_overlay_start_0:
0x0: {  	s2 =	sld [smem:$0x3FD9]  }
0x1: {  	s3 =	sld [smem:$0x3FFE];
	_ =	sdelay $0x1  }
0x2: {  	s1 =	srdreg.scid  }
0x3: {  	s0 =	sand.u32 $0x1, s1  }
0x4: {  	s18 =	sshll.u32 s0, $0xA;
	s2 =	sadd.s32 s3, s2  }
0x5: {  	s2 =	sadd.s32 s2, s18  }
0x6: {  	[smem:$0x3FC6] =	sst s2  }
0x7: {  	_ = 	snop  }
0x8: {  	s2 =	sld [smem:$0x3FD0];
	(tm) =	ssettm $0x1  }
0x9: {  	s19 =	sld [smem:$0x3FFB];
	_ =	sdelay $0x3  }
0xa: {  	_ =	strace s19  }
0xb: {  	s3 =	sld [smem:$0x3FFC];
	_ =	sdelay $0x3  }
0xc: {  	_ =	strace s3  }
0xd: {  	s3 =	sld [smem:$0x3FFD];
	_ =	sdelay $0x3  }
0xe: {  	_ =	strace s3  }
0xf: {  	_ =	strace $0x8FFFFFFF  }
0x10: {  	s20 =	sld [smem:$0x3FDB];
	_ =	sdelay $0x1  }
0x11: {  	s4 =	simm.s32 $_scs_section_size  }
0x12: {  	s5 =	simm.s32 $_size__tile_overlayer_lowered;
	s6 =	simm.s32 $_tile_overlayer_lowered  }
0x13: {  	s23 =	simm.s32 $0x1BFF;
	s22 =	sshll.u32 s6, $0x1;
	s3 =	sadd.s32 s4, s20  }
0x14: {  	s7 =	simm.s32 $0x0;
	s21 =	sshll.u32 s5, $0x1;
	s5 =	sadd.s32 s22, s3  }
0x15: {  	[timem:s7], [sflag:s23] =	dma.local [hbm:s5], s21  }
0x16: {  	_ =	swait.ge [sflag:s23], s21  }
0x17: {  	s4 =	ssub.s32 $0x0, s21;
	[sflag:s23] =	ssyncset.done $0x0  }
0x18: {  	[sflag:s23] =	ssyncadd.s32 s4;
	_ =	sdelay $0x1  }
0x19: {  	s24 =	simm.s32 $0x1B8B  }
0x1a: {  	_ =	swait.ge [sflag:s24], $0x1  }
0x1b: {  	[sflag:s24] =	ssyncset.done $0x0  }
0x1c: {  	s26 =	simm.s32 $0x1B8E;
	s25 =	sld [smem:$0x3FFE];
	[sflag:s24] =	ssyncadd.s32 $0xFFFFFFFF  }
0x1d: {  	s27 =	simm.s32 $execute0_lowered;
	[smem:$0x3FD2] =	sst s26  }
0x1e: {  	s5 =	sshll.u32 s27, $0x1;
	_ =	strace $0x80000049;
	[dreg:$0x1] =	wrdreg $0xFFFFFFFF  }
0x1f: {  	s28 =	simm.s32 $_size_execute0_lowered;
	s3 =	sadd.s32 s3, s5;
	[dreg:$0x0] =	wrdreg $0x0  }
0x20: {  	s5 =	sshll.u32 s28, $0x1;
	[dreg:$0x2] =	wrdreg s3  }
0x21: {  	[dreg:$0x3] =	wrdreg s5  }
0x22: {  	[dreg:$0x4] =	wrdreg $0xC0  }
0x23: {  	_ =	task [dreg:s7], $0x5FFFF  }
0x24: {  	[dreg:$0x1] =	wrdreg $0xFFFFFFFF  }
0x25: {  	[dreg:$0x0] =	wrdreg $0x60  }
0x26: {  	[dreg:$0x2] =	wrdreg s25  }
0x27: {  	[dreg:$0x3] =	wrdreg s2  }
0x28: {  	[dreg:$0x4] =	wrdreg $0x9  }
0x29: {  	_ =	task.clear_ibuf [dreg:s7], $0x5FFFF;
	_ =	strace $0x90000049  }
0x2a: {  	s29 =	simm.s32 $0x9;
	_ =	strace $0x8000004B  }
0x2b: {  	_ =	swait.ge [sflag:s29], $0x1  }
0x2c: {  	[sflag:s29] =	ssyncadd.s32 $0xFFFFFFFF  }
0x2d: {  	_ =	strace $0x9000004B  }
0x2e: {  	_ =	sfence  }
0x2f: {  	s30 =	sld [smem:$0x0];
	_ =	sdelay $0x2  }
0x30: {  	s31 =	sshll.u32 s1, $0xD;
	s1 =	sshrl.u32 s1, $0x2  }
0x31: {  	s3 =	sand.u32 $0x4000, s31;
	s1 =	sadd.s32 s1, s30  }
0x32: {  	s0 =	sor.u32 s3, s0;
	s1 =	sshll.u32 s1, $0x11  }
0x33: {  	s0 =	sor.u32 s1, s0  }
0x34: {  	s0 =	sadd.s32 $0x8F2B, s0  }
0x35: {  	[sflag:s0] =	ssyncadd.remote.s32 $0x1  }
0x36: {  	_ =	sfence.sel $0xFFFF  }
0x37: {  	[dreg:$0x0] =	wrdreg $0xFFFFFFFF;
	(pc) =	sbr.abs _section_cstart, $3  }
0x38: {  	[dreg:$0x1] =	wrdreg $0xFFFFFFFF  }
0x39: {  	_ =	task.clear_ibuf [dreg:s7], $0x2FFFF;
	_ =	strace $0x9FFFFFFF  }
0x3a: {  	(tm) =	ssettm $0x7FFFFFFF  }
0x3b: {  	_ =	shalt  }
tec
execute0_lowered:
.L_overlay_start_1:
0x0: {  	(tag) =	ssettag $0x1  }
0x1: {  	s0 =	srdreg.scid  }
0x2: {  	s1 =	sshll.u32 s0, $0x4  }
0x3: {  	s5 =	rddreg [dreg:$0x0];
	s0 =	stileid.u32;
	s1 =	sand.u32 $0x10, s1  }
0x4: {  	s3 =	rddreg [dreg:$0x1];
	s31 =	simm.s32 $0x2;
	s4 =	sor.u32 s0, s1  }
0x5: {  	s13 =	simm.s32 $0x0;
	s9 =	simm.s32 $0x400;
	s2 =	sshll.u32 s4, $0x7  }
0x6: {  	s10 =	simm.s32 $0x8000;
	s14 =	simm.s32 $0x0;
	s6 =	ssub.s32 $0x1000, s2  }
0x7: {  	s1 =	rddreg [dreg:$0x2];
	_ =	strace $0x8000004A;
	s7 =	sand.u32 $0xF80, s6  }
0x8: {  	s4 =	sshll.u32 s4, $0xB;
	p0 =	sne.s32 s7, $0x0;
	s7 =	simm.s32 $0x1  }
.Ltmp0:
0x9: {  	s6 =	sshrl.u32 s6, $0xC;
	s7 =	simm.s32 @!p0 $0x0;
	(pc) =	sbr.rel .LBB1_1-.Ltmp0, $4  }
0xa: {  	s8 =	sadd.s32 s4, s5;
	s4 =	simm.s32 $0x1;
	s30 =	sadd.s32 s7, s6  }
0xb: {  	s11 =	simm.s32 $0x0;
	[sflag:s4] =	ssyncpa.u1 $0x0;
	s5 =	smul.u32 $0x64, s30  }
0xc: {  	s12 =	simm.s32 $0x0;
	[sflag:s31] =	ssyncpa.u1 $0x0;
	p0 =	por $0x0, $0x0  }
0xd: {  	s6 =	sadd.s32 $0xA00, s8;
	s7 =	sadd.s32 $0x10A00, s8;
	s8 =	sor.u32 $0x1, s5  }
.LBB1_7:
0xe: {  	s15 =	sadd.s32 $0x2, s11  }
0xf: {  	p2 =	sgt.s32 s15, $0xC7  }
0x10: {  	s15 =	simm.s32 @p2 $0x0;
	p2 =	sne.s32 s12, s8  }
.Ltmp1:
0x11: {  	p1 =	slt.u32 s12, $0x2;
	(pc) =	sbr.rel @!p2 .LBB1_8-.Ltmp1, $4  }
0x12: {  	s13 =	simm.s32 @!p1 $0x2  }
0x13: {  	s16 =	sadd.s32 $0x1, s12;
	s14 =	smov.u32 s11;
	_ =	swait.ge @!p1 [sflag:s13], $0x4000  }
0x14: {  	p0 =	por !p0, !p0;
	s12 =	smov.u32 s16;
	[sflag:s13] =	ssyncset.done @!p1 $0x0  }
0x15: {  	s11 =	smov.u32 s15;
	[sflag:s13] =	ssyncadd.s32 @!p1 $0xFFFFC000;
	s13 =	smov.u32 s2  }
.LBB1_1:
0x16: {  	p1 =	sge.u32 s12, s5  }
0x17: {  	s15 =	sxor.u32 @!p1 $0xFFFFFFFF, s12  }
0x18: {  	s16 =	sshll.u32 @!p1 s11, $0x10;
	s18 =	simm.s32 @!p1 $0x40;
	s15 =	sshll.u32 @!p1 s15, $0xE  }
0x19: {  	s19 =	simm.s32 @!p1 $0x80;
	s17 =	sadd.s32 @!p1 s16, s6;
	s15 =	sand.u32 @!p1 $0x4000, s15  }
0x1a: {  	[tilespmem:s15], [sflag:$0x1] =	stream.strided.gather @!p1 [hbm4b:s17+s18], $0x2000, s19, s18, $0x38;
	[tilespmem:$0x10100] =	vst v63  }
0x1b: {  	s31 =	sadd.s32 $0xFFFFFFFF, s12;
	s16 =	sadd.s32 @!p1 s16, s7;
	s15 =	sor.u32 @!p1 $0x2000, s15  }
0x1c: {  	[tilespmem:s15], [sflag:$0x1] =	stream.strided.gather @!p1 [hbm4b:s16+s18], $0x2000, s19, s18, $0x38;
	[tilespmem:$0x10100] =	vst v63  }
0x1d: {  	p1 =	sge.u32 s31, s5  }
.Ltmp2:
0x1e: {  	_ = 	snop;
	(pc) =	sbr.rel @p1 .LBB1_7-.Ltmp2, $1  }
0x1f: {  	_ =	sdelay $0x3  }
0x20: {  	s15 =	simm.s32 $0x1;
	s17 =	sand.u32 $0x1, s12  }
0x21: {  	_ =	swait.ge [sflag:s4], $0x4000;
	s15 =	simm.s32 @!p0 $0x0;
	s17 =	smul.u32 $0x10200, s17  }
0x22: {  	p2 =	por $0x1, $0x1;
	[sflag:s4] =	ssyncset.done $0x0;
	s16 =	smul.u32 $0x10200, s15  }
0x23: {  	s18 =	sshll.u32 s15, $0x10;
	[sflag:s4] =	ssyncadd.s32 $0xFFFFC000;
	s30 =	sshrl.u32 s17, $0x2  }
0x24: {  	s31 =	sshrl.u32 s18, $0x2;
	s18 =	simm.s32 $0x0;
	s16 =	sshrl.u32 s16, $0x2  }
0x25: {  	s15 =	sor.u32 $0x8000, s30;
	s17 =	sadd.s32 $0x20, s31;
	s16 =	sor.u32 $0x8000, s16  }
.LBB1_3:
0x26: {  	s19 =	sshll.u32 s18, $0xD  }
0x27: {  	s19 =	sand.u32 $0x3FFFE000, s19  }
0x28: {  	s21 =	sadd.s32 s19, s17  }
0x29: {  	s31 =	smul.u32 $0x8100, s18;
	v3 =	vld [tilespmem:s21+$0x10]  }
0x2a: {  	v1 =	vld [tilespmem:s21+$0xFFFFFFF0]  }
0x2b: {  	s18 =	sshra.s32 s31, $0x2;
	v0 =	vld [tilespmem:s21+$0x0]  }
0x2c: {  	s18 =	sadd.s32 s18, s16;
	v2 =	vld [tilespmem:s21+$0xFFFFFFE0]  }
0x2d: {  	s19 =	sadd.s32 $0x0, s18  }
0x2e: {  	p1 =	por p2, p2;
	s20 =	simm.s32 $0x4;
	s21 =	sadd.s32 $0x40, s21;
	[tilespmem:s19+$0x1830 ss:$0x81] =	vst.msk $0xffff, v3  }
.LBB1_4:
0x2f: {  	v3 =	vld [tilespmem:s21+$0x10];
	p2 =	sne.s32 s20, $0x1FC;
	[tilespmem:s19+$0x810 ss:$0x81] =	vst.msk $0xffff, v1;
	s22 =	smov.u32 s20;
	s20 =	sadd.s32 $0x4, s20  }
.Ltmp3:
0x30: {  	v1 =	vld [tilespmem:s21+$0xFFFFFFF0];
	[tilespmem:s19+$0x1020 ss:$0x81] =	vst.msk $0xffff, v0;
	(pc) =	sbr.rel @p2 .LBB1_4-.Ltmp3, $4  }
0x31: {  	v0 =	vld [tilespmem:s21+$0x0];
	[tilespmem:s19+$0x0 ss:$0x81] =	vst.msk $0xffff, v2  }
0x32: {  	s19 =	sshra.s32 s22, $0x2;
	v2 =	vld [tilespmem:s21+$0xFFFFFFE0]  }
0x33: {  	s19 =	sadd.s32 s19, s18  }
0x34: {  	s21 =	sadd.s32 $0x40, s21;
	[tilespmem:s19+$0x1830 ss:$0x81] =	vst.msk $0xffff, v3  }
.Ltmp4:
0x35: {  	(pc) =	sbr.rel @p1 .LBB1_3-.Ltmp4, $4  }
0x36: {  	_ = 	snop  }
0x37: {  	[tilespmem:s19+$0x810 ss:$0x81] =	vst.msk $0xffff, v1  }
0x38: {  	[tilespmem:s19+$0x1020 ss:$0x81] =	vst.msk $0xffff, v0  }
0x39: {  	s18 =	simm.s32 $0x1;
	p2 =	por $0x0, $0x0;
	[tilespmem:s19+$0x0 ss:$0x81] =	vst.msk $0xffff, v2  }
.Ltmp5:
0x3a: {  	(pc) =	sbr.rel .LBB1_7-.Ltmp5, $4  }
0x3b: {  	s14 =	sshll.u32 s14, $0xF  }
0x3c: {  	s14 =	sadd.s32 s3, s14  }
0x3d: {  	s13 =	sadd.s32 s13, s14  }
0x3e: {  	[hbm4b:s13+s9] =	stream.strided.scatter [tilespmem:s15], [sflag:$0x2], $0x4000, s10, s9, $0x20;
	[tilespmem:$0x10100] =	vst v63  }
.LBB1_8:
0x3f: {  	_ =	sfence.sel $0x180000  }
0x40: {  	s2 =	simm.s32 $0x1;
	[bflag:$0x0] =	sbarrier.arrive $0xFFFF  }
0x41: {  	s31 =	simm.s32 $0x2;
	[sflag:s2] =	ssyncpa.u1 $0x1  }
0x42: {  	[sflag:s31] =	ssyncpa.u1 $0x1  }
0x43: {  	p0 =	sne.s32 s0, $0x0;
	_ =	strace $0x9000004A  }
0x44: {  	s0 =	sadd.s32 @!p0 $0x100000, s1;
	[bflag:$0x2] =	sbarrier.arrive $0xFFFF  }
0x45: {  	[sflag:s0] =	ssyncadd.tile.s32 @!p0 $0x1;
	_ =	shalt  }
.Lfunc_end1:
_tile_overlayer_lowered:
.L_overlay_start_2:
0x46: {  	(tag) =	ssettag $0x2  }
0x47: {  	s0 =	rddreg [dreg:$0x0];
	s2 =	stileid.u32  }
0x48: {  	s1 =	rddreg [dreg:$0x1];
	p0 =	sne.s32 s2, $0x0  }
0x49: {  	s3 =	rddreg [dreg:$0x2];
	[bflag:$0x3] =	sbarrier.arrive $0xFFFF;
	s2 =	simm.s32 @!p0 $0x1C01  }
0x4a: {  	[timem:s3], [sflag:s2] =	dma.local @!p0 [hbm:s0], s1  }
0x4b: {  	s0 =	simm.s32 @!p0 $0x1  }
0x4c: {  	_ =	swait.ge @!p0 [sflag:s0], s1  }
0x4d: {  	s1 =	ssub.s32 @!p0 $0x0, s1;
	[sflag:s0] =	ssyncset.done @!p0 $0x0  }
0x4e: {  	[sflag:s0] =	ssyncadd.s32 @!p0 s1  }
0x4f: {  	[bflag:$0x3] =	sbarrier.arrive $0xFFFF  }
0x50: {  	_ =	shalt  }

</sc_bundles>
